<compile_context>
chip_gen: v7x
topology: tpu7x:2x2x1
jax: 0.10.2.dev20260603
libtpu: 0.0.44.dev20260713+nightly
codegen_flags: <defaults>
</compile_context>

<pallas_src>
import functools

import jax
import jax.numpy as jnp
import numpy as np
from jax import lax
from jax.experimental import pallas as pl
from jax.experimental.pallas import tpu as pltpu
from jax.experimental.pallas import tpu_sc as plsc

_VOCAB = 100000
_EMBED = 64
_NUM_CLASS = 4
_BATCH = 4096
_CUTLEN = 200

_NC = 2
_NS = 16
_NW = _NC * _NS
_BPW = _BATCH // _NW
_TPW = _BPW * _CUTLEN
_G = 128
_NGROUPS = _TPW // _G
_BLK = 4
_NVEC = _BLK - 1
_NBLK = _NGROUPS // _BLK

_NBUF = 10
_AHEAD = 6

_DIV200_MUL = 5243
_DIV200_SHIFT = 20

_Q = _EMBED // 16


def _sc_body(text_ref, table_ref, out_ref, idx_v, seg_v, rows_v, acc_v,
             acc_sh, sem_g, sem_s):
  c = lax.axis_index("c")
  s = lax.axis_index("s")
  wid = c * _NS + s

  pltpu.sync_copy(text_ref.at[pl.ds(wid * _TPW, _TPW)], idx_v)

  zeros16 = jnp.zeros((16,), jnp.float32)

  def _zero_row(r, carry):
    for q in range(_Q):
      rows_v[0, r, pl.ds(q * 16, 16)] = zeros16
      acc_v[r, pl.ds(q * 16, 16)] = zeros16
    return carry

  lax.fori_loop(0, _BPW, _zero_row, 0)
  pltpu.sync_copy(rows_v.at[0], acc_sh.at[pl.ds(s * _BPW, _BPW)])

  lanes = lax.iota(jnp.int32, 16)
  base = s * _BPW

  def _gen_seg(jj, carry):
    for q in range(_G // 16):
      p = lanes + (jj * _BLK * _G + q * 16)
      seg_v[jj, pl.ds(q * 16, 16)] = (
          base + ((p * _DIV200_MUL) >> _DIV200_SHIFT))
    return carry

  lax.fori_loop(0, _NBLK, _gen_seg, 0)

  for j in range(_AHEAD):
    pltpu.async_copy(table_ref.at[idx_v.at[pl.ds(j * _G, _G)]],
                     rows_v.at[j], sem_g)

  def _gwait(j, slot):
    pltpu.make_async_copy(table_ref.at[idx_v.at[pl.ds(j * _G, _G)]],
                          rows_v.at[slot], sem_g).wait()

  def _block(jj, carry):
    j0 = jj * _BLK
    slot0 = lax.rem(j0, _NBUF)

    _gwait(j0, slot0)
    pltpu.async_copy(rows_v.at[slot0], acc_sh.at[seg_v.at[jj]], sem_s,
                     add=True)

    @pl.when(jj >= 1)
    def _drain_prev():
      pslot = lax.rem(j0 - _BLK, _NBUF)
      pltpu.make_async_copy(rows_v.at[pslot], acc_sh.at[seg_v.at[jj - 1]],
                            sem_s).wait()

    @pl.when(j0 + _AHEAD < _NGROUPS)
    def _fire0():
      nslot = lax.rem(j0 + _AHEAD, _NBUF)
      pltpu.async_copy(table_ref.at[idx_v.at[pl.ds((j0 + _AHEAD) * _G, _G)]],
                       rows_v.at[nslot], sem_g)

    z4 = (zeros16,) * _Q
    for v in range(1, _BLK):
      j1 = j0 + v
      slot1 = lax.rem(j1, _NBUF)

      @pl.when(j1 + _AHEAD < _NGROUPS)
      def _fire1(j1=j1):
        nslot = lax.rem(j1 + _AHEAD, _NBUF)
        pltpu.async_copy(
            table_ref.at[idx_v.at[pl.ds((j1 + _AHEAD) * _G, _G)]],
            rows_v.at[nslot], sem_g)

      _gwait(j1, slot1)
      p0 = j1 * _G
      b0 = (p0 * _DIV200_MUL) >> _DIV200_SHIFT
      bnd = jnp.minimum((b0 + 1) * _CUTLEN - p0, _G)

      def _accum(r, acc, slot1=slot1):
        return tuple(
            acc[q] + rows_v[slot1, r, pl.ds(q * 16, 16)] for q in range(_Q))

      acc_a = plsc.parallel_loop(0, bnd, carry=z4, unroll=4)(_accum)
      acc_b = plsc.parallel_loop(bnd, _G, carry=z4, unroll=4)(_accum)
      for q in range(_Q):
        acc_v[b0, pl.ds(q * 16, 16)] = (
            acc_v[b0, pl.ds(q * 16, 16)] + acc_a[q])

      @pl.when(bnd < _G)
      def _flush_b(b0=b0, acc_b=acc_b):
        for q in range(_Q):
          acc_v[b0 + 1, pl.ds(q * 16, 16)] = (
              acc_v[b0 + 1, pl.ds(q * 16, 16)] + acc_b[q])

    return carry

  lax.fori_loop(0, _NBLK, _block, 0)

  pltpu.make_async_copy(rows_v.at[(_NGROUPS - _BLK) % _NBUF],
                        acc_sh.at[seg_v.at[_NBLK - 1]], sem_s).wait()
  pltpu.sync_copy(acc_sh.at[pl.ds(s * _BPW, _BPW)], rows_v.at[0])

  def _merge_row(r, carry):
    for q in range(_Q):
      acc_v[r, pl.ds(q * 16, 16)] = (
          acc_v[r, pl.ds(q * 16, 16)] + rows_v[0, r, pl.ds(q * 16, 16)])
    return carry

  lax.fori_loop(0, _BPW, _merge_row, 0)
  pltpu.sync_copy(acc_v, out_ref.at[pl.ds(wid * _BPW, _BPW)])


@jax.jit
def _segment_sums(text, table):
  mesh = plsc.VectorSubcoreMesh(core_axis_name="c", subcore_axis_name="s",
                                num_cores=_NC, num_subcores=_NS)
  fn = pl.kernel(
      _sc_body,
      out_type=jax.ShapeDtypeStruct((_BATCH, _EMBED), jnp.float32),
      mesh=mesh,
      scratch_types=[
          pltpu.VMEM((_TPW,), jnp.int32),
          pltpu.VMEM((_NBLK, _G), jnp.int32),
          pltpu.VMEM((_NBUF, _G, _EMBED), jnp.float32),
          pltpu.VMEM((_BPW, _EMBED), jnp.float32),
          pltpu.VMEM_SHARED((_NS * _BPW, _EMBED), jnp.float32),
          pltpu.SemaphoreType.DMA,
          pltpu.SemaphoreType.DMA,
      ],
      compiler_params=pltpu.CompilerParams(use_tc_tiling_on_sc=False),
  )
  return fn(text, table)


def _tc_body(p_ref, w_ref, b_ref, o_ref):
  logits = jnp.dot(p_ref[...], w_ref[...],
                   preferred_element_type=jnp.float32) + b_ref[...]
  m = jnp.max(logits, axis=1, keepdims=True)
  e = jnp.exp(logits - m)
  probs = e / jnp.sum(e, axis=1, keepdims=True)
  o_ref[...] = probs.T


@jax.jit
def _dense_softmax(pooled_sum, wt, b2):
  out_t = pl.pallas_call(
      _tc_body,
      out_shape=jax.ShapeDtypeStruct((_NUM_CLASS, _BATCH), jnp.float32),
  )(pooled_sum, wt, b2)
  return out_t.T


def kernel(text, table, W, b):
  wt = (W.astype(jnp.float32) * (1.0 / _CUTLEN)).T
  b2 = b.reshape(1, _NUM_CLASS).astype(jnp.float32)

  pooled_sum = _segment_sums(text, table)
  return _dense_softmax(pooled_sum, wt, b2)

# --- scband reference (transcript-rebuilt; emitter-appended) ---
"""Pipeline reference for scband-text-sentiment-33526514712983 (READ-ONLY COPY).

The authoritative reference and input builder live on the scoring server;
editing this copy changes nothing except your own understanding.
"""

import jax, jax.numpy as jnp
import numpy as np

VOCAB = 100000
EMBED = 64
NUM_CLASS = 4
BATCH = 4096
CUTLEN = 200


def setup_inputs(seed: int = 0) -> dict:
    key = jax.random.key(seed)
    k1, k2, k3 = jax.random.split(key, 3)
    text = jax.random.randint(k1, (BATCH * CUTLEN,), 0, VOCAB, dtype=jnp.int32)
    # nn.Embedding weight init: uniform(-0.5, 0.5) per init_weights()
    table = jax.random.uniform(k2, (VOCAB, EMBED), minval=-0.5, maxval=0.5, dtype=jnp.float32)
    # nn.Linear(embed_dim, num_class): weight [num_class, embed_dim], bias zeroed per init_weights()
    W = jax.random.normal(k3, (NUM_CLASS, EMBED), dtype=jnp.float32) * (1.0 / np.sqrt(EMBED))
    b = jnp.zeros((NUM_CLASS,), dtype=jnp.float32)
    return {"text": text, "table": table, "W": W, "b": b}


def reference(text, table, W, b):
    # embedded = self.embedding(text)  -> [N, embed_dim]
    emb = jnp.take(table, text, axis=0)
    # transpose(1,0).unsqueeze(0) -> [1, embed_dim, N]; avg_pool1d(kernel=cutlen, stride=cutlen)
    # averages consecutive CUTLEN tokens along the N axis -> equivalent to reshape+mean
    pooled = emb.reshape(BATCH, CUTLEN, EMBED).mean(axis=1)  # [BATCH, embed_dim]
    # fc + softmax(dim=1)
    logits = pooled @ W.T + b
    return jax.nn.softmax(logits, axis=1)

if __name__ == "__main__":
    import jax
    _d = setup_inputs()
    print(jax.jit(kernel)(*tuple(_d.values())))

</pallas_src>

<mosaic_0001>
#map = affine_map<(d0, d1) -> (0)>
#map1 = affine_map<(d0, d1) -> (0, 0)>
module attributes {stable_mosaic.version = 14 : i64} {
  func.func @_sc_body(%arg0: i32, %arg1: i32, %arg2: memref<819200xi32, #tpu.memory_space<hbm>>, %arg3: memref<100000x64xf32, #tpu.memory_space<hbm>>, %arg4: memref<4096x64xf32, #tpu.memory_space<hbm>>, %arg5: memref<25600xi32, #tpu.memory_space<vmem>>, %arg6: memref<50x128xi32, #tpu.memory_space<vmem>>, %arg7: memref<10x128x64xf32, #tpu.memory_space<vmem>>, %arg8: memref<128x64xf32, #tpu.memory_space<vmem>>, %arg9: memref<2048x64xf32, #tpu.memory_space<vmem_shared>>, %arg10: memref<!tpu.dma_semaphore, #tpu.memory_space<semaphore_mem>>, %arg11: memref<!tpu.dma_semaphore, #tpu.memory_space<semaphore_mem>>) attributes {dimension_semantics = [#tpu.dimension_semantics<core_parallel>, #tpu.dimension_semantics<subcore_parallel>], iteration_bounds = array<i64: 2, 16>, scalar_prefetch = 0 : i64, scratch_operands = 7 : i64, tpu.core_type = #tpu.core_type<sc_vector_subcore>, window_params = [{transform_indices = #map}, {transform_indices = #map1}, {transform_indices = #map1}]} {
    %mul3A = arith.constant 16 : i32
    %mul3A_0 = arith.muli %arg0, %mul3A : i32
    %add3A = arith.addi %mul3A_0, %arg1 : i32
    %mul3A_1 = arith.constant 25600 : i32
    %mul3A_2 = arith.muli %add3A, %mul3A_1 : i32
    "tpu.region"() ({
      %run_scoped3A_106 = tpu.sem_alloc : memref<!tpu.dma_semaphore, #tpu.memory_space<semaphore_mem>>
      %dma_start3A_107 = tpu.memref_slice %arg2[%mul3A_2] : memref<819200xi32, #tpu.memory_space<hbm>> -> memref<25600xi32, #tpu.memory_space<hbm>>
      %dma_start3A_108 = tpu.memref_slice %arg2[%mul3A_2] : memref<819200xi32, #tpu.memory_space<hbm>> -> memref<25600xi32, #tpu.memory_space<hbm>>
      tpu.enqueue_dma source(%dma_start3A_108 : memref<25600xi32, #tpu.memory_space<hbm>>) target(%arg5 : memref<25600xi32, #tpu.memory_space<vmem>>) target_semaphore(%run_scoped3A_106 : memref<!tpu.dma_semaphore, #tpu.memory_space<semaphore_mem>>)
      %dma_wait3A_109 = tpu.memref_slice %arg2[%mul3A_2] : memref<819200xi32, #tpu.memory_space<hbm>> -> memref<25600xi32, #tpu.memory_space<hbm>>
      %dma_wait3A_110 = tpu.memref_slice %arg2[%mul3A_2] : memref<819200xi32, #tpu.memory_space<hbm>> -> memref<25600xi32, #tpu.memory_space<hbm>>
      tpu.wait_dma2 semaphore(%run_scoped3A_106 : memref<!tpu.dma_semaphore, #tpu.memory_space<semaphore_mem>>) src(%dma_wait3A_110 : memref<25600xi32, #tpu.memory_space<hbm>>) dst(%arg5 : memref<25600xi32, #tpu.memory_space<vmem>>)
      tpu.yield
    }) : () -> ()
    %broadcast_in_dim3A = arith.constant 0.000000e+00 : f32
    %broadcast_in_dim3A_3 = vector.broadcast %broadcast_in_dim3A : f32 to vector<16xf32>
    %scan3A = arith.constant 0 : i32
    %scan3A_4 = arith.constant 0 : i32
    %scan3A_5 = arith.constant 128 : i32
    %scan3A_6 = arith.addi %scan3A_4, %scan3A_5 : i32
    %scan3A_7 = arith.constant 1 : i32
    scf.for %scan3A_106 = %scan3A_4 to %scan3A_6 step %scan3A_7  : i32 {
      %swap3A = arith.constant 0 : i32
      %swap3A_107 = arith.index_cast %swap3A : i32 to index
      %swap3A_108 = arith.index_cast %scan3A_106 : i32 to index
      %swap3A_109 = arith.constant 0 : index
      %swap3A_110 = tpu.vector_load %arg7[%swap3A_107, %swap3A_108, %swap3A_109] {strides = array<i32>} : memref<10x128x64xf32, #tpu.memory_space<vmem>>, vector<1x1x16xf32>,
      %swap3A_111 = vector.shape_cast %swap3A_110 : vector<1x1x16xf32> to vector<16xf32>
      %swap3A_112 = vector.shape_cast %broadcast_in_dim3A_3 : vector<16xf32> to vector<1x1x16xf32>
      tpu.vector_store %arg7[%swap3A_107, %swap3A_108, %swap3A_109], %swap3A_112 {strides = array<i32>} : memref<10x128x64xf32, #tpu.memory_space<vmem>>, vector<1x1x16xf32>,
      %swap3A_113 = arith.index_cast %scan3A_106 : i32 to index
      %swap3A_114 = arith.constant 0 : index
      %swap3A_115 = tpu.vector_load %arg8[%swap3A_113, %swap3A_114] {strides = array<i32>} : memref<128x64xf32, #tpu.memory_space<vmem>>, vector<1x16xf32>,
      %swap3A_116 = vector.shape_cast %swap3A_115 : vector<1x16xf32> to vector<16xf32>
      %swap3A_117 = vector.shape_cast %broadcast_in_dim3A_3 : vector<16xf32> to vector<1x16xf32>
      tpu.vector_store %arg8[%swap3A_113, %swap3A_114], %swap3A_117 {strides = array<i32>} : memref<128x64xf32, #tpu.memory_space<vmem>>, vector<1x16xf32>,
      %swap3A_118 = arith.constant 0 : i32
      %swap3A_119 = arith.index_cast %swap3A_118 : i32 to index
      %swap3A_120 = arith.index_cast %scan3A_106 : i32 to index
      %swap3A_121 = arith.constant 16 : index
      %swap3A_122 = tpu.vector_load %arg7[%swap3A_119, %swap3A_120, %swap3A_121] {strides = array<i32>} : memref<10x128x64xf32, #tpu.memory_space<vmem>>, vector<1x1x16xf32>,
      %swap3A_123 = vector.shape_cast %swap3A_122 : vector<1x1x16xf32> to vector<16xf32>
      %swap3A_124 = vector.shape_cast %broadcast_in_dim3A_3 : vector<16xf32> to vector<1x1x16xf32>
      tpu.vector_store %arg7[%swap3A_119, %swap3A_120, %swap3A_121], %swap3A_124 {strides = array<i32>} : memref<10x128x64xf32, #tpu.memory_space<vmem>>, vector<1x1x16xf32>,
      %swap3A_125 = arith.index_cast %scan3A_106 : i32 to index
      %swap3A_126 = arith.constant 16 : index
      %swap3A_127 = tpu.vector_load %arg8[%swap3A_125, %swap3A_126] {strides = array<i32>} : memref<128x64xf32, #tpu.memory_space<vmem>>, vector<1x16xf32>,
      %swap3A_128 = vector.shape_cast %swap3A_127 : vector<1x16xf32> to vector<16xf32>
      %swap3A_129 = vector.shape_cast %broadcast_in_dim3A_3 : vector<16xf32> to vector<1x16xf32>
      tpu.vector_store %arg8[%swap3A_125, %swap3A_126], %swap3A_129 {strides = array<i32>} : memref<128x64xf32, #tpu.memory_space<vmem>>, vector<1x16xf32>,
      %swap3A_130 = arith.constant 0 : i32
      %swap3A_131 = arith.index_cast %swap3A_130 : i32 to index
      %swap3A_132 = arith.index_cast %scan3A_106 : i32 to index
      %swap3A_133 = arith.constant 32 : index
      %swap3A_134 = tpu.vector_load %arg7[%swap3A_131, %swap3A_132, %swap3A_133] {strides = array<i32>} : memref<10x128x64xf32, #tpu.memory_space<vmem>>, vector<1x1x16xf32>,
      %swap3A_135 = vector.shape_cast %swap3A_134 : vector<1x1x16xf32> to vector<16xf32>
      %swap3A_136 = vector.shape_cast %broadcast_in_dim3A_3 : vector<16xf32> to vector<1x1x16xf32>
      tpu.vector_store %arg7[%swap3A_131, %swap3A_132, %swap3A_133], %swap3A_136 {strides = array<i32>} : memref<10x128x64xf32, #tpu.memory_space<vmem>>, vector<1x1x16xf32>,
      %swap3A_137 = arith.index_cast %scan3A_106 : i32 to index
      %swap3A_138 = arith.constant 32 : index
      %swap3A_139 = tpu.vector_load %arg8[%swap3A_137, %swap3A_138] {strides = array<i32>} : memref<128x64xf32, #tpu.memory_space<vmem>>, vector<1x16xf32>,
      %swap3A_140 = vector.shape_cast %swap3A_139 : vector<1x16xf32> to vector<16xf32>
      %swap3A_141 = vector.shape_cast %broadcast_in_dim3A_3 : vector<16xf32> to vector<1x16xf32>
      tpu.vector_store %arg8[%swap3A_137, %swap3A_138], %swap3A_141 {strides = array<i32>} : memref<128x64xf32, #tpu.memory_space<vmem>>, vector<1x16xf32>,
      %swap3A_142 = arith.constant 0 : i32
      %swap3A_143 = arith.index_cast %swap3A_142 : i32 to index
      %swap3A_144 = arith.index_cast %scan3A_106 : i32 to index
      %swap3A_145 = arith.constant 48 : index
      %swap3A_146 = tpu.vector_load %arg7[%swap3A_143, %swap3A_144, %swap3A_145] {strides = array<i32>} : memref<10x128x64xf32, #tpu.memory_space<vmem>>, vector<1x1x16xf32>,
      %swap3A_147 = vector.shape_cast %swap3A_146 : vector<1x1x16xf32> to vector<16xf32>
      %swap3A_148 = vector.shape_cast %broadcast_in_dim3A_3 : vector<16xf32> to vector<1x1x16xf32>
      tpu.vector_store %arg7[%swap3A_143, %swap3A_144, %swap3A_145], %swap3A_148 {strides = array<i32>} : memref<10x128x64xf32, #tpu.memory_space<vmem>>, vector<1x1x16xf32>,
      %swap3A_149 = arith.index_cast %scan3A_106 : i32 to index
      %swap3A_150 = arith.constant 48 : index
      %swap3A_151 = tpu.vector_load %arg8[%swap3A_149, %swap3A_150] {strides = array<i32>} : memref<128x64xf32, #tpu.memory_space<vmem>>, vector<1x16xf32>,
      %swap3A_152 = vector.shape_cast %swap3A_151 : vector<1x16xf32> to vector<16xf32>
      %swap3A_153 = vector.shape_cast %broadcast_in_dim3A_3 : vector<16xf32> to vector<1x16xf32>
      tpu.vector_store %arg8[%swap3A_149, %swap3A_150], %swap3A_153 {strides = array<i32>} : memref<128x64xf32, #tpu.memory_space<vmem>>, vector<1x16xf32>,
    }
    %scan3A_8 = arith.constant 128 : i32
    %mul3A_9 = arith.constant 128 : i32
    %mul3A_10 = arith.muli %arg1, %mul3A_9 : i32
    %run_scoped3A = arith.constant 0 : i32
    "tpu.region"() ({
      %run_scoped3A_106 = tpu.sem_alloc : memref<!tpu.dma_semaphore, #tpu.memory_space<semaphore_mem>>
      %dma_start3A_107 = arith.constant 0 : i32
      %dma_start3A_108 = arith.constant 0 : i32
      %dma_start3A_109 = tpu.memref_slice %arg7[%run_scoped3A, %dma_start3A_107, %dma_start3A_108] : memref<10x128x64xf32, #tpu.memory_space<vmem>> -> memref<1x128x64xf32, #tpu.memory_space<vmem>>
      %dma_start3A_110 = tpu.memref_squeeze %dma_start3A_109 : memref<1x128x64xf32, #tpu.memory_space<vmem>> -> memref<128x64xf32, #tpu.memory_space<vmem>>
      %dma_start3A_111 = arith.constant 0 : i32
      %dma_start3A_112 = tpu.memref_slice %arg9[%mul3A_10, %dma_start3A_111] : memref<2048x64xf32, #tpu.memory_space<vmem_shared>> -> memref<128x64xf32, #tpu.memory_space<vmem_shared>>
      %dma_start3A_113 = arith.constant 0 : i32
      %dma_start3A_114 = tpu.memref_slice %arg9[%mul3A_10, %dma_start3A_113] : memref<2048x64xf32, #tpu.memory_space<vmem_shared>> -> memref<128x64xf32, #tpu.memory_space<vmem_shared>>
      %dma_start3A_115 = arith.constant 0 : i32
      %dma_start3A_116 = arith.constant 0 : i32
      %dma_start3A_117 = tpu.memref_slice %arg7[%run_scoped3A, %dma_start3A_115, %dma_start3A_116] : memref<10x128x64xf32, #tpu.memory_space<vmem>> -> memref<1x128x64xf32, #tpu.memory_space<vmem>>
      %dma_start3A_118 = tpu.memref_squeeze %dma_start3A_117 : memref<1x128x64xf32, #tpu.memory_space<vmem>> -> memref<128x64xf32, #tpu.memory_space<vmem>>
      tpu.enqueue_dma source(%dma_start3A_118 : memref<128x64xf32, #tpu.memory_space<vmem>>) target(%dma_start3A_114 : memref<128x64xf32, #tpu.memory_space<vmem_shared>>) target_semaphore(%run_scoped3A_106 : memref<!tpu.dma_semaphore, #tpu.memory_space<semaphore_mem>>)
      %dma_wait3A_119 = arith.constant 0 : i32
      %dma_wait3A_120 = arith.constant 0 : i32
      %dma_wait3A_121 = tpu.memref_slice %arg7[%run_scoped3A, %dma_wait3A_119, %dma_wait3A_120] : memref<10x128x64xf32, #tpu.memory_space<vmem>> -> memref<1x128x64xf32, #tpu.memory_space<vmem>>
      %dma_wait3A_122 = tpu.memref_squeeze %dma_wait3A_121 : memref<1x128x64xf32, #tpu.memory_space<vmem>> -> memref<128x64xf32, #tpu.memory_space<vmem>>
      %dma_wait3A_123 = arith.constant 0 : i32
      %dma_wait3A_124 = tpu.memref_slice %arg9[%mul3A_10, %dma_wait3A_123] : memref<2048x64xf32, #tpu.memory_space<vmem_shared>> -> memref<128x64xf32, #tpu.memory_space<vmem_shared>>
      %dma_wait3A_125 = arith.constant 0 : i32
      %dma_wait3A_126 = tpu.memref_slice %arg9[%mul3A_10, %dma_wait3A_125] : memref<2048x64xf32, #tpu.memory_space<vmem_shared>> -> memref<128x64xf32, #tpu.memory_space<vmem_shared>>
      %dma_wait3A_127 = arith.constant 0 : i32
      %dma_wait3A_128 = arith.constant 0 : i32
      %dma_wait3A_129 = tpu.memref_slice %arg7[%run_scoped3A, %dma_wait3A_127, %dma_wait3A_128] : memref<10x128x64xf32, #tpu.memory_space<vmem>> -> memref<1x128x64xf32, #tpu.memory_space<vmem>>
      %dma_wait3A_130 = tpu.memref_squeeze %dma_wait3A_129 : memref<1x128x64xf32, #tpu.memory_space<vmem>> -> memref<128x64xf32, #tpu.memory_space<vmem>>
      tpu.wait_dma2 semaphore(%run_scoped3A_106 : memref<!tpu.dma_semaphore, #tpu.memory_space<semaphore_mem>>) src(%dma_wait3A_130 : memref<128x64xf32, #tpu.memory_space<vmem>>) dst(%dma_wait3A_126 : memref<128x64xf32, #tpu.memory_space<vmem_shared>>)
      tpu.yield
    }) : () -> ()
    %iota3A = tpu.iota {dimensions = array<i32: 0>} : vector<16xi32>
    %mul3A_11 = arith.constant 128 : i32
    %mul3A_12 = arith.muli %arg1, %mul3A_11 : i32
    %scan3A_13 = arith.constant 0 : i32
    %scan3A_14 = arith.constant 0 : i32
    %scan3A_15 = arith.constant 50 : i32
    %scan3A_16 = arith.addi %scan3A_14, %scan3A_15 : i32
    %scan3A_17 = arith.constant 1 : i32
    scf.for %scan3A_106 = %scan3A_14 to %scan3A_16 step %scan3A_17  : i32 {
      %mul3A_107 = arith.constant 4 : i32
      %mul3A_108 = arith.muli %scan3A_106, %mul3A_107 : i32
      %mul3A_109 = arith.constant 128 : i32
      %mul3A_110 = arith.muli %mul3A_108, %mul3A_109 : i32
      %add3A_111 = arith.constant 0 : i32
      %add3A_112 = arith.addi %mul3A_110, %add3A_111 : i32
      %add3A_113 = vector.broadcast %add3A_112 : i32 to vector<16xi32>
      %add3A_114 = arith.addi %iota3A, %add3A_113 : vector<16xi32>
      %mul3A_115 = arith.constant 5243 : i32
      %mul3A_116 = vector.broadcast %mul3A_115 : i32 to vector<16xi32>
      %mul3A_117 = arith.muli %add3A_114, %mul3A_116 : vector<16xi32>
      %shift_right_arithmetic3A = arith.constant 20 : i32
      %shift_right_arithmetic3A_118 = vector.broadcast %shift_right_arithmetic3A : i32 to vector<16xi32>
      %shift_right_arithmetic3A_119 = arith.shrsi %mul3A_117, %shift_right_arithmetic3A_118 : vector<16xi32>
      %add3A_120 = vector.broadcast %mul3A_12 : i32 to vector<16xi32>
      %add3A_121 = arith.addi %add3A_120, %shift_right_arithmetic3A_119 : vector<16xi32>
      %swap3A = arith.index_cast %scan3A_106 : i32 to index
      %swap3A_122 = arith.constant 0 : index
      %swap3A_123 = tpu.vector_load %arg6[%swap3A, %swap3A_122] {strides = array<i32>} : memref<50x128xi32, #tpu.memory_space<vmem>>, vector<1x16xi32>,
      %swap3A_124 = vector.shape_cast %swap3A_123 : vector<1x16xi32> to vector<16xi32>
      %swap3A_125 = vector.shape_cast %add3A_121 : vector<16xi32> to vector<1x16xi32>
      tpu.vector_store %arg6[%swap3A, %swap3A_122], %swap3A_125 {strides = array<i32>} : memref<50x128xi32, #tpu.memory_space<vmem>>, vector<1x16xi32>,
      %mul3A_126 = arith.constant 4 : i32
      %mul3A_127 = arith.muli %scan3A_106, %mul3A_126 : i32
      %mul3A_128 = arith.constant 128 : i32
      %mul3A_129 = arith.muli %mul3A_127, %mul3A_128 : i32
      %add3A_130 = arith.constant 16 : i32
      %add3A_131 = arith.addi %mul3A_129, %add3A_130 : i32
      %add3A_132 = vector.broadcast %add3A_131 : i32 to vector<16xi32>
      %add3A_133 = arith.addi %iota3A, %add3A_132 : vector<16xi32>
      %mul3A_134 = arith.constant 5243 : i32
      %mul3A_135 = vector.broadcast %mul3A_134 : i32 to vector<16xi32>
      %mul3A_136 = arith.muli %add3A_133, %mul3A_135 : vector<16xi32>
      %shift_right_arithmetic3A_137 = arith.constant 20 : i32
      %shift_right_arithmetic3A_138 = vector.broadcast %shift_right_arithmetic3A_137 : i32 to vector<16xi32>
      %shift_right_arithmetic3A_139 = arith.shrsi %mul3A_136, %shift_right_arithmetic3A_138 : vector<16xi32>
      %add3A_140 = vector.broadcast %mul3A_12 : i32 to vector<16xi32>
      %add3A_141 = arith.addi %add3A_140, %shift_right_arithmetic3A_139 : vector<16xi32>
      %swap3A_142 = arith.index_cast %scan3A_106 : i32 to index
      %swap3A_143 = arith.constant 16 : index
      %swap3A_144 = tpu.vector_load %arg6[%swap3A_142, %swap3A_143] {strides = array<i32>} : memref<50x128xi32, #tpu.memory_space<vmem>>, vector<1x16xi32>,
      %swap3A_145 = vector.shape_cast %swap3A_144 : vector<1x16xi32> to vector<16xi32>
      %swap3A_146 = vector.shape_cast %add3A_141 : vector<16xi32> to vector<1x16xi32>
      tpu.vector_store %arg6[%swap3A_142, %swap3A_143], %swap3A_146 {strides = array<i32>} : memref<50x128xi32, #tpu.memory_space<vmem>>, vector<1x16xi32>,
      %mul3A_147 = arith.constant 4 : i32
      %mul3A_148 = arith.muli %scan3A_106, %mul3A_147 : i32
      %mul3A_149 = arith.constant 128 : i32
      %mul3A_150 = arith.muli %mul3A_148, %mul3A_149 : i32
      %add3A_151 = arith.constant 32 : i32
      %add3A_152 = arith.addi %mul3A_150, %add3A_151 : i32
      %add3A_153 = vector.broadcast %add3A_152 : i32 to vector<16xi32>
      %add3A_154 = arith.addi %iota3A, %add3A_153 : vector<16xi32>
      %mul3A_155 = arith.constant 5243 : i32
      %mul3A_156 = vector.broadcast %mul3A_155 : i32 to vector<16xi32>
      %mul3A_157 = arith.muli %add3A_154, %mul3A_156 : vector<16xi32>
      %shift_right_arithmetic3A_158 = arith.constant 20 : i32
      %shift_right_arithmetic3A_159 = vector.broadcast %shift_right_arithmetic3A_158 : i32 to vector<16xi32>
      %shift_right_arithmetic3A_160 = arith.shrsi %mul3A_157, %shift_right_arithmetic3A_159 : vector<16xi32>
      %add3A_161 = vector.broadcast %mul3A_12 : i32 to vector<16xi32>
      %add3A_162 = arith.addi %add3A_161, %shift_right_arithmetic3A_160 : vector<16xi32>
      %swap3A_163 = arith.index_cast %scan3A_106 : i32 to index
      %swap3A_164 = arith.constant 32 : index
      %swap3A_165 = tpu.vector_load %arg6[%swap3A_163, %swap3A_164] {strides = array<i32>} : memref<50x128xi32, #tpu.memory_space<vmem>>, vector<1x16xi32>,
      %swap3A_166 = vector.shape_cast %swap3A_165 : vector<1x16xi32> to vector<16xi32>
      %swap3A_167 = vector.shape_cast %add3A_162 : vector<16xi32> to vector<1x16xi32>
      tpu.vector_store %arg6[%swap3A_163, %swap3A_164], %swap3A_167 {strides = array<i32>} : memref<50x128xi32, #tpu.memory_space<vmem>>, vector<1x16xi32>,
      %mul3A_168 = arith.constant 4 : i32
      %mul3A_169 = arith.muli %scan3A_106, %mul3A_168 : i32
      %mul3A_170 = arith.constant 128 : i32
      %mul3A_171 = arith.muli %mul3A_169, %mul3A_170 : i32
      %add3A_172 = arith.constant 48 : i32
      %add3A_173 = arith.addi %mul3A_171, %add3A_172 : i32
      %add3A_174 = vector.broadcast %add3A_173 : i32 to vector<16xi32>
      %add3A_175 = arith.addi %iota3A, %add3A_174 : vector<16xi32>
      %mul3A_176 = arith.constant 5243 : i32
      %mul3A_177 = vector.broadcast %mul3A_176 : i32 to vector<16xi32>
      %mul3A_178 = arith.muli %add3A_175, %mul3A_177 : vector<16xi32>
      %shift_right_arithmetic3A_179 = arith.constant 20 : i32
      %shift_right_arithmetic3A_180 = vector.broadcast %shift_right_arithmetic3A_179 : i32 to vector<16xi32>
      %shift_right_arithmetic3A_181 = arith.shrsi %mul3A_178, %shift_right_arithmetic3A_180 : vector<16xi32>
      %add3A_182 = vector.broadcast %mul3A_12 : i32 to vector<16xi32>
      %add3A_183 = arith.addi %add3A_182, %shift_right_arithmetic3A_181 : vector<16xi32>
      %swap3A_184 = arith.index_cast %scan3A_106 : i32 to index
      %swap3A_185 = arith.constant 48 : index
      %swap3A_186 = tpu.vector_load %arg6[%swap3A_184, %swap3A_185] {strides = array<i32>} : memref<50x128xi32, #tpu.memory_space<vmem>>, vector<1x16xi32>,
      %swap3A_187 = vector.shape_cast %swap3A_186 : vector<1x16xi32> to vector<16xi32>
      %swap3A_188 = vector.shape_cast %add3A_183 : vector<16xi32> to vector<1x16xi32>
      tpu.vector_store %arg6[%swap3A_184, %swap3A_185], %swap3A_188 {strides = array<i32>} : memref<50x128xi32, #tpu.memory_space<vmem>>, vector<1x16xi32>,
      %mul3A_189 = arith.constant 4 : i32
      %mul3A_190 = arith.muli %scan3A_106, %mul3A_189 : i32
      %mul3A_191 = arith.constant 128 : i32
      %mul3A_192 = arith.muli %mul3A_190, %mul3A_191 : i32
      %add3A_193 = arith.constant 64 : i32
      %add3A_194 = arith.addi %mul3A_192, %add3A_193 : i32
      %add3A_195 = vector.broadcast %add3A_194 : i32 to vector<16xi32>
      %add3A_196 = arith.addi %iota3A, %add3A_195 : vector<16xi32>
      %mul3A_197 = arith.constant 5243 : i32
      %mul3A_198 = vector.broadcast %mul3A_197 : i32 to vector<16xi32>
      %mul3A_199 = arith.muli %add3A_196, %mul3A_198 : vector<16xi32>
      %shift_right_arithmetic3A_200 = arith.constant 20 : i32
      %shift_right_arithmetic3A_201 = vector.broadcast %shift_right_arithmetic3A_200 : i32 to vector<16xi32>
      %shift_right_arithmetic3A_202 = arith.shrsi %mul3A_199, %shift_right_arithmetic3A_201 : vector<16xi32>
      %add3A_203 = vector.broadcast %mul3A_12 : i32 to vector<16xi32>
      %add3A_204 = arith.addi %add3A_203, %shift_right_arithmetic3A_202 : vector<16xi32>
      %swap3A_205 = arith.index_cast %scan3A_106 : i32 to index
      %swap3A_206 = arith.constant 64 : index
      %swap3A_207 = tpu.vector_load %arg6[%swap3A_205, %swap3A_206] {strides = array<i32>} : memref<50x128xi32, #tpu.memory_space<vmem>>, vector<1x16xi32>,
      %swap3A_208 = vector.shape_cast %swap3A_207 : vector<1x16xi32> to vector<16xi32>
      %swap3A_209 = vector.shape_cast %add3A_204 : vector<16xi32> to vector<1x16xi32>
      tpu.vector_store %arg6[%swap3A_205, %swap3A_206], %swap3A_209 {strides = array<i32>} : memref<50x128xi32, #tpu.memory_space<vmem>>, vector<1x16xi32>,
      %mul3A_210 = arith.constant 4 : i32
      %mul3A_211 = arith.muli %scan3A_106, %mul3A_210 : i32
      %mul3A_212 = arith.constant 128 : i32
      %mul3A_213 = arith.muli %mul3A_211, %mul3A_212 : i32
      %add3A_214 = arith.constant 80 : i32
      %add3A_215 = arith.addi %mul3A_213, %add3A_214 : i32
      %add3A_216 = vector.broadcast %add3A_215 : i32 to vector<16xi32>
      %add3A_217 = arith.addi %iota3A, %add3A_216 : vector<16xi32>
      %mul3A_218 = arith.constant 5243 : i32
      %mul3A_219 = vector.broadcast %mul3A_218 : i32 to vector<16xi32>
      %mul3A_220 = arith.muli %add3A_217, %mul3A_219 : vector<16xi32>
      %shift_right_arithmetic3A_221 = arith.constant 20 : i32
      %shift_right_arithmetic3A_222 = vector.broadcast %shift_right_arithmetic3A_221 : i32 to vector<16xi32>
      %shift_right_arithmetic3A_223 = arith.shrsi %mul3A_220, %shift_right_arithmetic3A_222 : vector<16xi32>
      %add3A_224 = vector.broadcast %mul3A_12 : i32 to vector<16xi32>
      %add3A_225 = arith.addi %add3A_224, %shift_right_arithmetic3A_223 : vector<16xi32>
      %swap3A_226 = arith.index_cast %scan3A_106 : i32 to index
      %swap3A_227 = arith.constant 80 : index
      %swap3A_228 = tpu.vector_load %arg6[%swap3A_226, %swap3A_227] {strides = array<i32>} : memref<50x128xi32, #tpu.memory_space<vmem>>, vector<1x16xi32>,
      %swap3A_229 = vector.shape_cast %swap3A_228 : vector<1x16xi32> to vector<16xi32>
      %swap3A_230 = vector.shape_cast %add3A_225 : vector<16xi32> to vector<1x16xi32>
      tpu.vector_store %arg6[%swap3A_226, %swap3A_227], %swap3A_230 {strides = array<i32>} : memref<50x128xi32, #tpu.memory_space<vmem>>, vector<1x16xi32>,
      %mul3A_231 = arith.constant 4 : i32
      %mul3A_232 = arith.muli %scan3A_106, %mul3A_231 : i32
      %mul3A_233 = arith.constant 128 : i32
      %mul3A_234 = arith.muli %mul3A_232, %mul3A_233 : i32
      %add3A_235 = arith.constant 96 : i32
      %add3A_236 = arith.addi %mul3A_234, %add3A_235 : i32
      %add3A_237 = vector.broadcast %add3A_236 : i32 to vector<16xi32>
      %add3A_238 = arith.addi %iota3A, %add3A_237 : vector<16xi32>
      %mul3A_239 = arith.constant 5243 : i32
      %mul3A_240 = vector.broadcast %mul3A_239 : i32 to vector<16xi32>
      %mul3A_241 = arith.muli %add3A_238, %mul3A_240 : vector<16xi32>
      %shift_right_arithmetic3A_242 = arith.constant 20 : i32
      %shift_right_arithmetic3A_243 = vector.broadcast %shift_right_arithmetic3A_242 : i32 to vector<16xi32>
      %shift_right_arithmetic3A_244 = arith.shrsi %mul3A_241, %shift_right_arithmetic3A_243 : vector<16xi32>
      %add3A_245 = vector.broadcast %mul3A_12 : i32 to vector<16xi32>
      %add3A_246 = arith.addi %add3A_245, %shift_right_arithmetic3A_244 : vector<16xi32>
      %swap3A_247 = arith.index_cast %scan3A_106 : i32 to index
      %swap3A_248 = arith.constant 96 : index
      %swap3A_249 = tpu.vector_load %arg6[%swap3A_247, %swap3A_248] {strides = array<i32>} : memref<50x128xi32, #tpu.memory_space<vmem>>, vector<1x16xi32>,
      %swap3A_250 = vector.shape_cast %swap3A_249 : vector<1x16xi32> to vector<16xi32>
      %swap3A_251 = vector.shape_cast %add3A_246 : vector<16xi32> to vector<1x16xi32>
      tpu.vector_store %arg6[%swap3A_247, %swap3A_248], %swap3A_251 {strides = array<i32>} : memref<50x128xi32, #tpu.memory_space<vmem>>, vector<1x16xi32>,
      %mul3A_252 = arith.constant 4 : i32
      %mul3A_253 = arith.muli %scan3A_106, %mul3A_252 : i32
      %mul3A_254 = arith.constant 128 : i32
      %mul3A_255 = arith.muli %mul3A_253, %mul3A_254 : i32
      %add3A_256 = arith.constant 112 : i32
      %add3A_257 = arith.addi %mul3A_255, %add3A_256 : i32
      %add3A_258 = vector.broadcast %add3A_257 : i32 to vector<16xi32>
      %add3A_259 = arith.addi %iota3A, %add3A_258 : vector<16xi32>
      %mul3A_260 = arith.constant 5243 : i32
      %mul3A_261 = vector.broadcast %mul3A_260 : i32 to vector<16xi32>
      %mul3A_262 = arith.muli %add3A_259, %mul3A_261 : vector<16xi32>
      %shift_right_arithmetic3A_263 = arith.constant 20 : i32
      %shift_right_arithmetic3A_264 = vector.broadcast %shift_right_arithmetic3A_263 : i32 to vector<16xi32>
      %shift_right_arithmetic3A_265 = arith.shrsi %mul3A_262, %shift_right_arithmetic3A_264 : vector<16xi32>
      %add3A_266 = vector.broadcast %mul3A_12 : i32 to vector<16xi32>
      %add3A_267 = arith.addi %add3A_266, %shift_right_arithmetic3A_265 : vector<16xi32>
      %swap3A_268 = arith.index_cast %scan3A_106 : i32 to index
      %swap3A_269 = arith.constant 112 : index
      %swap3A_270 = tpu.vector_load %arg6[%swap3A_268, %swap3A_269] {strides = array<i32>} : memref<50x128xi32, #tpu.memory_space<vmem>>, vector<1x16xi32>,
      %swap3A_271 = vector.shape_cast %swap3A_270 : vector<1x16xi32> to vector<16xi32>
      %swap3A_272 = vector.shape_cast %add3A_267 : vector<16xi32> to vector<1x16xi32>
      tpu.vector_store %arg6[%swap3A_268, %swap3A_269], %swap3A_272 {strides = array<i32>} : memref<50x128xi32, #tpu.memory_space<vmem>>, vector<1x16xi32>,
    }
    %scan3A_18 = arith.constant 50 : i32
    %dma_start3A = arith.constant 0 : i32
    %dma_start3A_19 = arith.constant 0 : i32
    %dma_start3A_20 = arith.constant 0 : i32
    %dma_start3A_21 = tpu.memref_slice %arg7[%dma_start3A, %dma_start3A_19, %dma_start3A_20] : memref<10x128x64xf32, #tpu.memory_space<vmem>> -> memref<1x128x64xf32, #tpu.memory_space<vmem>>
    %dma_start3A_22 = tpu.memref_squeeze %dma_start3A_21 : memref<1x128x64xf32, #tpu.memory_space<vmem>> -> memref<128x64xf32, #tpu.memory_space<vmem>>
    %dma_start3A_23 = arith.constant 0 : i32
    %dma_start3A_24 = tpu.memref_slice %arg5[%dma_start3A_23] : memref<25600xi32, #tpu.memory_space<vmem>> -> memref<128xi32, #tpu.memory_space<vmem>>
    %dma_start3A_25 = arith.constant 0 : i32
    %dma_start3A_26 = arith.constant 0 : i32
    %dma_start3A_27 = tpu.memref_slice %arg3[%dma_start3A_25, %dma_start3A_26] : memref<100000x64xf32, #tpu.memory_space<hbm>> -> memref<100000x64xf32, #tpu.memory_space<hbm>>
    tpu.enqueue_indirect_dma source(%dma_start3A_27 : memref<100000x64xf32, #tpu.memory_space<hbm>>) target(%dma_start3A_22 : memref<128x64xf32, #tpu.memory_space<vmem>>) offsets(%dma_start3A_24 : memref<128xi32, #tpu.memory_space<vmem>>) semaphore(%arg10 : memref<!tpu.dma_semaphore, #tpu.memory_space<semaphore_mem>>)
    %dma_start3A_28 = arith.constant 1 : i32
    %dma_start3A_29 = arith.constant 0 : i32
    %dma_start3A_30 = arith.constant 0 : i32
    %dma_start3A_31 = tpu.memref_slice %arg7[%dma_start3A_28, %dma_start3A_29, %dma_start3A_30] : memref<10x128x64xf32, #tpu.memory_space<vmem>> -> memref<1x128x64xf32, #tpu.memory_space<vmem>>
    %dma_start3A_32 = tpu.memref_squeeze %dma_start3A_31 : memref<1x128x64xf32, #tpu.memory_space<vmem>> -> memref<128x64xf32, #tpu.memory_space<vmem>>
    %dma_start3A_33 = arith.constant 128 : i32
    %dma_start3A_34 = tpu.memref_slice %arg5[%dma_start3A_33] : memref<25600xi32, #tpu.memory_space<vmem>> -> memref<128xi32, #tpu.memory_space<vmem>>
    %dma_start3A_35 = arith.constant 0 : i32
    %dma_start3A_36 = arith.constant 0 : i32
    %dma_start3A_37 = tpu.memref_slice %arg3[%dma_start3A_35, %dma_start3A_36] : memref<100000x64xf32, #tpu.memory_space<hbm>> -> memref<100000x64xf32, #tpu.memory_space<hbm>>
    tpu.enqueue_indirect_dma source(%dma_start3A_37 : memref<100000x64xf32, #tpu.memory_space<hbm>>) target(%dma_start3A_32 : memref<128x64xf32, #tpu.memory_space<vmem>>) offsets(%dma_start3A_34 : memref<128xi32, #tpu.memory_space<vmem>>) semaphore(%arg10 : memref<!tpu.dma_semaphore, #tpu.memory_space<semaphore_mem>>)
    %dma_start3A_38 = arith.constant 2 : i32
    %dma_start3A_39 = arith.constant 0 : i32
    %dma_start3A_40 = arith.constant 0 : i32
    %dma_start3A_41 = tpu.memref_slice %arg7[%dma_start3A_38, %dma_start3A_39, %dma_start3A_40] : memref<10x128x64xf32, #tpu.memory_space<vmem>> -> memref<1x128x64xf32, #tpu.memory_space<vmem>>
    %dma_start3A_42 = tpu.memref_squeeze %dma_start3A_41 : memref<1x128x64xf32, #tpu.memory_space<vmem>> -> memref<128x64xf32, #tpu.memory_space<vmem>>
    %dma_start3A_43 = arith.constant 256 : i32
    %dma_start3A_44 = tpu.memref_slice %arg5[%dma_start3A_43] : memref<25600xi32, #tpu.memory_space<vmem>> -> memref<128xi32, #tpu.memory_space<vmem>>
    %dma_start3A_45 = arith.constant 0 : i32
    %dma_start3A_46 = arith.constant 0 : i32
    %dma_start3A_47 = tpu.memref_slice %arg3[%dma_start3A_45, %dma_start3A_46] : memref<100000x64xf32, #tpu.memory_space<hbm>> -> memref<100000x64xf32, #tpu.memory_space<hbm>>
    tpu.enqueue_indirect_dma source(%dma_start3A_47 : memref<100000x64xf32, #tpu.memory_space<hbm>>) target(%dma_start3A_42 : memref<128x64xf32, #tpu.memory_space<vmem>>) offsets(%dma_start3A_44 : memref<128xi32, #tpu.memory_space<vmem>>) semaphore(%arg10 : memref<!tpu.dma_semaphore, #tpu.memory_space<semaphore_mem>>)
    %dma_start3A_48 = arith.constant 3 : i32
    %dma_start3A_49 = arith.constant 0 : i32
    %dma_start3A_50 = arith.constant 0 : i32
    %dma_start3A_51 = tpu.memref_slice %arg7[%dma_start3A_48, %dma_start3A_49, %dma_start3A_50] : memref<10x128x64xf32, #tpu.memory_space<vmem>> -> memref<1x128x64xf32, #tpu.memory_space<vmem>>
    %dma_start3A_52 = tpu.memref_squeeze %dma_start3A_51 : memref<1x128x64xf32, #tpu.memory_space<vmem>> -> memref<128x64xf32, #tpu.memory_space<vmem>>
    %dma_start3A_53 = arith.constant 384 : i32
    %dma_start3A_54 = tpu.memref_slice %arg5[%dma_start3A_53] : memref<25600xi32, #tpu.memory_space<vmem>> -> memref<128xi32, #tpu.memory_space<vmem>>
    %dma_start3A_55 = arith.constant 0 : i32
    %dma_start3A_56 = arith.constant 0 : i32
    %dma_start3A_57 = tpu.memref_slice %arg3[%dma_start3A_55, %dma_start3A_56] : memref<100000x64xf32, #tpu.memory_space<hbm>> -> memref<100000x64xf32, #tpu.memory_space<hbm>>
    tpu.enqueue_indirect_dma source(%dma_start3A_57 : memref<100000x64xf32, #tpu.memory_space<hbm>>) target(%dma_start3A_52 : memref<128x64xf32, #tpu.memory_space<vmem>>) offsets(%dma_start3A_54 : memref<128xi32, #tpu.memory_space<vmem>>) semaphore(%arg10 : memref<!tpu.dma_semaphore, #tpu.memory_space<semaphore_mem>>)
    %dma_start3A_58 = arith.constant 4 : i32
    %dma_start3A_59 = arith.constant 0 : i32
    %dma_start3A_60 = arith.constant 0 : i32
    %dma_start3A_61 = tpu.memref_slice %arg7[%dma_start3A_58, %dma_start3A_59, %dma_start3A_60] : memref<10x128x64xf32, #tpu.memory_space<vmem>> -> memref<1x128x64xf32, #tpu.memory_space<vmem>>
    %dma_start3A_62 = tpu.memref_squeeze %dma_start3A_61 : memref<1x128x64xf32, #tpu.memory_space<vmem>> -> memref<128x64xf32, #tpu.memory_space<vmem>>
    %dma_start3A_63 = arith.constant 512 : i32
    %dma_start3A_64 = tpu.memref_slice %arg5[%dma_start3A_63] : memref<25600xi32, #tpu.memory_space<vmem>> -> memref<128xi32, #tpu.memory_space<vmem>>
    %dma_start3A_65 = arith.constant 0 : i32
    %dma_start3A_66 = arith.constant 0 : i32
    %dma_start3A_67 = tpu.memref_slice %arg3[%dma_start3A_65, %dma_start3A_66] : memref<100000x64xf32, #tpu.memory_space<hbm>> -> memref<100000x64xf32, #tpu.memory_space<hbm>>
    tpu.enqueue_indirect_dma source(%dma_start3A_67 : memref<100000x64xf32, #tpu.memory_space<hbm>>) target(%dma_start3A_62 : memref<128x64xf32, #tpu.memory_space<vmem>>) offsets(%dma_start3A_64 : memref<128xi32, #tpu.memory_space<vmem>>) semaphore(%arg10 : memref<!tpu.dma_semaphore, #tpu.memory_space<semaphore_mem>>)
    %dma_start3A_68 = arith.constant 5 : i32
    %dma_start3A_69 = arith.constant 0 : i32
    %dma_start3A_70 = arith.constant 0 : i32
    %dma_start3A_71 = tpu.memref_slice %arg7[%dma_start3A_68, %dma_start3A_69, %dma_start3A_70] : memref<10x128x64xf32, #tpu.memory_space<vmem>> -> memref<1x128x64xf32, #tpu.memory_space<vmem>>
    %dma_start3A_72 = tpu.memref_squeeze %dma_start3A_71 : memref<1x128x64xf32, #tpu.memory_space<vmem>> -> memref<128x64xf32, #tpu.memory_space<vmem>>
    %dma_start3A_73 = arith.constant 640 : i32
    %dma_start3A_74 = tpu.memref_slice %arg5[%dma_start3A_73] : memref<25600xi32, #tpu.memory_space<vmem>> -> memref<128xi32, #tpu.memory_space<vmem>>
    %dma_start3A_75 = arith.constant 0 : i32
    %dma_start3A_76 = arith.constant 0 : i32
    %dma_start3A_77 = tpu.memref_slice %arg3[%dma_start3A_75, %dma_start3A_76] : memref<100000x64xf32, #tpu.memory_space<hbm>> -> memref<100000x64xf32, #tpu.memory_space<hbm>>
    tpu.enqueue_indirect_dma source(%dma_start3A_77 : memref<100000x64xf32, #tpu.memory_space<hbm>>) target(%dma_start3A_72 : memref<128x64xf32, #tpu.memory_space<vmem>>) offsets(%dma_start3A_74 : memref<128xi32, #tpu.memory_space<vmem>>) semaphore(%arg10 : memref<!tpu.dma_semaphore, #tpu.memory_space<semaphore_mem>>)
    %scan3A_78 = arith.constant 0 : i32
    %scan3A_79 = arith.constant 0 : i32
    %scan3A_80 = arith.constant 50 : i32
    %scan3A_81 = arith.addi %scan3A_79, %scan3A_80 : i32
    %scan3A_82 = arith.constant 1 : i32
    scf.for %scan3A_106 = %scan3A_79 to %scan3A_81 step %scan3A_82  : i32 {
      %mul3A_107 = arith.constant 4 : i32
      %mul3A_108 = arith.muli %scan3A_106, %mul3A_107 : i32
      %rem3A = arith.constant 10 : i32
      %rem3A_109 = arith.remsi %mul3A_108, %rem3A : i32
      %mul3A_110 = arith.constant 128 : i32
      %mul3A_111 = arith.muli %mul3A_108, %mul3A_110 : i32
      %dma_wait3A_112 = arith.constant 0 : i32
      %dma_wait3A_113 = arith.constant 0 : i32
      %dma_wait3A_114 = tpu.memref_slice %arg7[%rem3A_109, %dma_wait3A_112, %dma_wait3A_113] : memref<10x128x64xf32, #tpu.memory_space<vmem>> -> memref<1x128x64xf32, #tpu.memory_space<vmem>>
      %dma_wait3A_115 = tpu.memref_squeeze %dma_wait3A_114 : memref<1x128x64xf32, #tpu.memory_space<vmem>> -> memref<128x64xf32, #tpu.memory_space<vmem>>
      %dma_wait3A_116 = tpu.memref_slice %arg5[%mul3A_111] : memref<25600xi32, #tpu.memory_space<vmem>> -> memref<128xi32, #tpu.memory_space<vmem>>
      %dma_wait3A_117 = arith.constant 0 : i32
      %dma_wait3A_118 = arith.constant 0 : i32
      %dma_wait3A_119 = tpu.memref_slice %arg3[%dma_wait3A_117, %dma_wait3A_118] : memref<100000x64xf32, #tpu.memory_space<hbm>> -> memref<100000x64xf32, #tpu.memory_space<hbm>>
      tpu.wait_indirect_dma semaphore(%arg10 : memref<!tpu.dma_semaphore, #tpu.memory_space<semaphore_mem>>) src(%dma_wait3A_119 : memref<100000x64xf32, #tpu.memory_space<hbm>>) dst(%dma_wait3A_115 : memref<128x64xf32, #tpu.memory_space<vmem>>)
      %dma_start3A_120 = arith.constant 0 : i32
      %dma_start3A_121 = arith.constant 0 : i32
      %dma_start3A_122 = tpu.memref_slice %arg7[%rem3A_109, %dma_start3A_120, %dma_start3A_121] : memref<10x128x64xf32, #tpu.memory_space<vmem>> -> memref<1x128x64xf32, #tpu.memory_space<vmem>>
      %dma_start3A_123 = tpu.memref_squeeze %dma_start3A_122 : memref<1x128x64xf32, #tpu.memory_space<vmem>> -> memref<128x64xf32, #tpu.memory_space<vmem>>
      %dma_start3A_124 = arith.constant 0 : i32
      %dma_start3A_125 = tpu.memref_slice %arg6[%scan3A_106, %dma_start3A_124] : memref<50x128xi32, #tpu.memory_space<vmem>> -> memref<1x128xi32, #tpu.memory_space<vmem>>
      %dma_start3A_126 = tpu.memref_squeeze %dma_start3A_125 : memref<1x128xi32, #tpu.memory_space<vmem>> -> memref<128xi32, #tpu.memory_space<vmem>>
      %dma_start3A_127 = arith.constant 0 : i32
      %dma_start3A_128 = arith.constant 0 : i32
      %dma_start3A_129 = tpu.memref_slice %arg9[%dma_start3A_127, %dma_start3A_128] : memref<2048x64xf32, #tpu.memory_space<vmem_shared>> -> memref<2048x64xf32, #tpu.memory_space<vmem_shared>>
      tpu.enqueue_indirect_dma source(%dma_start3A_123 : memref<128x64xf32, #tpu.memory_space<vmem>>) target(%dma_start3A_129 : memref<2048x64xf32, #tpu.memory_space<vmem_shared>>) offsets(%dma_start3A_126 : memref<128xi32, #tpu.memory_space<vmem>>) semaphore(%arg11 : memref<!tpu.dma_semaphore, #tpu.memory_space<semaphore_mem>>) {add = true}
      %ge3A = arith.constant 1 : i32
      %ge3A_130 = arith.cmpi sge, %scan3A_106, %ge3A : i32
      %convert_element_type3A = arith.extui %ge3A_130 : i1 to i32
      %cond3A = arith.constant 0 : i32
      %cond3A_131 = arith.cmpi ne, %convert_element_type3A, %cond3A : i32
      scf.if %cond3A_131 {
        %sub3A_387 = arith.constant 4 : i32
        %sub3A_388 = arith.subi %mul3A_108, %sub3A_387 : i32
        %rem3A_389 = arith.constant 10 : i32
        %rem3A_390 = arith.remsi %sub3A_388, %rem3A_389 : i32
        %sub3A_391 = arith.constant 1 : i32
        %sub3A_392 = arith.subi %scan3A_106, %sub3A_391 : i32
        %dma_wait3A_393 = arith.constant 0 : i32
        %dma_wait3A_394 = arith.constant 0 : i32
        %dma_wait3A_395 = tpu.memref_slice %arg7[%rem3A_390, %dma_wait3A_393, %dma_wait3A_394] : memref<10x128x64xf32, #tpu.memory_space<vmem>> -> memref<1x128x64xf32, #tpu.memory_space<vmem>>
        %dma_wait3A_396 = tpu.memref_squeeze %dma_wait3A_395 : memref<1x128x64xf32, #tpu.memory_space<vmem>> -> memref<128x64xf32, #tpu.memory_space<vmem>>
        %dma_wait3A_397 = arith.constant 0 : i32
        %dma_wait3A_398 = tpu.memref_slice %arg6[%sub3A_392, %dma_wait3A_397] : memref<50x128xi32, #tpu.memory_space<vmem>> -> memref<1x128xi32, #tpu.memory_space<vmem>>
        %dma_wait3A_399 = tpu.memref_squeeze %dma_wait3A_398 : memref<1x128xi32, #tpu.memory_space<vmem>> -> memref<128xi32, #tpu.memory_space<vmem>>
        %dma_wait3A_400 = arith.constant 0 : i32
        %dma_wait3A_401 = arith.constant 0 : i32
        %dma_wait3A_402 = tpu.memref_slice %arg9[%dma_wait3A_400, %dma_wait3A_401] : memref<2048x64xf32, #tpu.memory_space<vmem_shared>> -> memref<2048x64xf32, #tpu.memory_space<vmem_shared>>
        tpu.wait_indirect_dma semaphore(%arg11 : memref<!tpu.dma_semaphore, #tpu.memory_space<semaphore_mem>>) src(%dma_wait3A_396 : memref<128x64xf32, #tpu.memory_space<vmem>>) dst(%dma_wait3A_402 : memref<2048x64xf32, #tpu.memory_space<vmem_shared>>)
      } else {
      }
      %add3A_132 = arith.constant 6 : i32
      %add3A_133 = arith.addi %mul3A_108, %add3A_132 : i32
      %lt3A = arith.constant 200 : i32
      %lt3A_134 = arith.cmpi slt, %add3A_133, %lt3A : i32
      %convert_element_type3A_135 = arith.extui %lt3A_134 : i1 to i32
      %cond3A_136 = arith.constant 0 : i32
      %cond3A_137 = arith.cmpi ne, %convert_element_type3A_135, %cond3A_136 : i32
      scf.if %cond3A_137 {
        %add3A_387 = arith.constant 6 : i32
        %add3A_388 = arith.addi %mul3A_108, %add3A_387 : i32
        %rem3A_389 = arith.constant 10 : i32
        %rem3A_390 = arith.remsi %add3A_388, %rem3A_389 : i32
        %add3A_391 = arith.constant 6 : i32
        %add3A_392 = arith.addi %mul3A_108, %add3A_391 : i32
        %mul3A_393 = arith.constant 128 : i32
        %mul3A_394 = arith.muli %add3A_392, %mul3A_393 : i32
        %dma_start3A_395 = arith.constant 0 : i32
        %dma_start3A_396 = arith.constant 0 : i32
        %dma_start3A_397 = tpu.memref_slice %arg7[%rem3A_390, %dma_start3A_395, %dma_start3A_396] : memref<10x128x64xf32, #tpu.memory_space<vmem>> -> memref<1x128x64xf32, #tpu.memory_space<vmem>>
        %dma_start3A_398 = tpu.memref_squeeze %dma_start3A_397 : memref<1x128x64xf32, #tpu.memory_space<vmem>> -> memref<128x64xf32, #tpu.memory_space<vmem>>
        %dma_start3A_399 = tpu.memref_slice %arg5[%mul3A_394] : memref<25600xi32, #tpu.memory_space<vmem>> -> memref<128xi32, #tpu.memory_space<vmem>>
        %dma_start3A_400 = arith.constant 0 : i32
        %dma_start3A_401 = arith.constant 0 : i32
        %dma_start3A_402 = tpu.memref_slice %arg3[%dma_start3A_400, %dma_start3A_401] : memref<100000x64xf32, #tpu.memory_space<hbm>> -> memref<100000x64xf32, #tpu.memory_space<hbm>>
        tpu.enqueue_indirect_dma source(%dma_start3A_402 : memref<100000x64xf32, #tpu.memory_space<hbm>>) target(%dma_start3A_398 : memref<128x64xf32, #tpu.memory_space<vmem>>) offsets(%dma_start3A_399 : memref<128xi32, #tpu.memory_space<vmem>>) semaphore(%arg10 : memref<!tpu.dma_semaphore, #tpu.memory_space<semaphore_mem>>)
      } else {
      }
      %add3A_138 = arith.constant 1 : i32
      %add3A_139 = arith.addi %mul3A_108, %add3A_138 : i32
      %rem3A_140 = arith.constant 10 : i32
      %rem3A_141 = arith.remsi %add3A_139, %rem3A_140 : i32
      %add3A_142 = arith.constant 6 : i32
      %add3A_143 = arith.addi %add3A_139, %add3A_142 : i32
      %lt3A_144 = arith.constant 200 : i32
      %lt3A_145 = arith.cmpi slt, %add3A_143, %lt3A_144 : i32
      %convert_element_type3A_146 = arith.extui %lt3A_145 : i1 to i32
      %cond3A_147 = arith.constant 0 : i32
      %cond3A_148 = arith.cmpi ne, %convert_element_type3A_146, %cond3A_147 : i32
      scf.if %cond3A_148 {
        %add3A_387 = arith.constant 6 : i32
        %add3A_388 = arith.addi %add3A_139, %add3A_387 : i32
        %rem3A_389 = arith.constant 10 : i32
        %rem3A_390 = arith.remsi %add3A_388, %rem3A_389 : i32
        %add3A_391 = arith.constant 6 : i32
        %add3A_392 = arith.addi %add3A_139, %add3A_391 : i32
        %mul3A_393 = arith.constant 128 : i32
        %mul3A_394 = arith.muli %add3A_392, %mul3A_393 : i32
        %dma_start3A_395 = arith.constant 0 : i32
        %dma_start3A_396 = arith.constant 0 : i32
        %dma_start3A_397 = tpu.memref_slice %arg7[%rem3A_390, %dma_start3A_395, %dma_start3A_396] : memref<10x128x64xf32, #tpu.memory_space<vmem>> -> memref<1x128x64xf32, #tpu.memory_space<vmem>>
        %dma_start3A_398 = tpu.memref_squeeze %dma_start3A_397 : memref<1x128x64xf32, #tpu.memory_space<vmem>> -> memref<128x64xf32, #tpu.memory_space<vmem>>
        %dma_start3A_399 = tpu.memref_slice %arg5[%mul3A_394] : memref<25600xi32, #tpu.memory_space<vmem>> -> memref<128xi32, #tpu.memory_space<vmem>>
        %dma_start3A_400 = arith.constant 0 : i32
        %dma_start3A_401 = arith.constant 0 : i32
        %dma_start3A_402 = tpu.memref_slice %arg3[%dma_start3A_400, %dma_start3A_401] : memref<100000x64xf32, #tpu.memory_space<hbm>> -> memref<100000x64xf32, #tpu.memory_space<hbm>>
        tpu.enqueue_indirect_dma source(%dma_start3A_402 : memref<100000x64xf32, #tpu.memory_space<hbm>>) target(%dma_start3A_398 : memref<128x64xf32, #tpu.memory_space<vmem>>) offsets(%dma_start3A_399 : memref<128xi32, #tpu.memory_space<vmem>>) semaphore(%arg10 : memref<!tpu.dma_semaphore, #tpu.memory_space<semaphore_mem>>)
      } else {
      }
      %mul3A_149 = arith.constant 128 : i32
      %mul3A_150 = arith.muli %add3A_139, %mul3A_149 : i32
      %dma_wait3A_151 = arith.constant 0 : i32
      %dma_wait3A_152 = arith.constant 0 : i32
      %dma_wait3A_153 = tpu.memref_slice %arg7[%rem3A_141, %dma_wait3A_151, %dma_wait3A_152] : memref<10x128x64xf32, #tpu.memory_space<vmem>> -> memref<1x128x64xf32, #tpu.memory_space<vmem>>
      %dma_wait3A_154 = tpu.memref_squeeze %dma_wait3A_153 : memref<1x128x64xf32, #tpu.memory_space<vmem>> -> memref<128x64xf32, #tpu.memory_space<vmem>>
      %dma_wait3A_155 = tpu.memref_slice %arg5[%mul3A_150] : memref<25600xi32, #tpu.memory_space<vmem>> -> memref<128xi32, #tpu.memory_space<vmem>>
      %dma_wait3A_156 = arith.constant 0 : i32
      %dma_wait3A_157 = arith.constant 0 : i32
      %dma_wait3A_158 = tpu.memref_slice %arg3[%dma_wait3A_156, %dma_wait3A_157] : memref<100000x64xf32, #tpu.memory_space<hbm>> -> memref<100000x64xf32, #tpu.memory_space<hbm>>
      tpu.wait_indirect_dma semaphore(%arg10 : memref<!tpu.dma_semaphore, #tpu.memory_space<semaphore_mem>>) src(%dma_wait3A_158 : memref<100000x64xf32, #tpu.memory_space<hbm>>) dst(%dma_wait3A_154 : memref<128x64xf32, #tpu.memory_space<vmem>>)
      %mul3A_159 = arith.constant 128 : i32
      %mul3A_160 = arith.muli %add3A_139, %mul3A_159 : i32
      %mul3A_161 = arith.constant 5243 : i32
      %mul3A_162 = arith.muli %mul3A_160, %mul3A_161 : i32
      %shift_right_arithmetic3A = arith.constant 20 : i32
      %shift_right_arithmetic3A_163 = arith.shrsi %mul3A_162, %shift_right_arithmetic3A : i32
      %add3A_164 = arith.constant 1 : i32
      %add3A_165 = arith.addi %shift_right_arithmetic3A_163, %add3A_164 : i32
      %mul3A_166 = arith.constant 200 : i32
      %mul3A_167 = arith.muli %add3A_165, %mul3A_166 : i32
      %sub3A = arith.subi %mul3A_167, %mul3A_160 : i32
      %min3A = arith.constant 128 : i32
      %min3A_168 = arith.minsi %sub3A, %min3A : i32
      %parallel_loop3A = arith.constant 0 : i32
      %parallel_loop3A_169 = arith.constant 1 : i32
      %parallel_loop3A_170:4 = scf.for %parallel_loop3A_387 = %parallel_loop3A to %min3A_168 step %parallel_loop3A_169 iter_args(%parallel_loop3A_388 = %broadcast_in_dim3A_3, %parallel_loop3A_389 = %broadcast_in_dim3A_3, %parallel_loop3A_390 = %broadcast_in_dim3A_3, %parallel_loop3A_391 = %broadcast_in_dim3A_3) -> (vector<16xf32>, vector<16xf32>, vector<16xf32>, vector<16xf32>)  : i32 {
        %parallel_loop3A_392 = arith.index_cast %rem3A_141 : i32 to index
        %parallel_loop3A_393 = arith.index_cast %parallel_loop3A_387 : i32 to index
        %parallel_loop3A_394 = arith.constant 0 : index
        %parallel_loop3A_395 = tpu.vector_load %arg7[%parallel_loop3A_392, %parallel_loop3A_393, %parallel_loop3A_394] {strides = array<i32>} : memref<10x128x64xf32, #tpu.memory_space<vmem>>, vector<1x1x16xf32>,
        %parallel_loop3A_396 = vector.shape_cast %parallel_loop3A_395 : vector<1x1x16xf32> to vector<16xf32>
        %parallel_loop3A_397 = arith.addf %parallel_loop3A_388, %parallel_loop3A_396 : vector<16xf32>
        %parallel_loop3A_398 = arith.index_cast %rem3A_141 : i32 to index
        %parallel_loop3A_399 = arith.index_cast %parallel_loop3A_387 : i32 to index
        %parallel_loop3A_400 = arith.constant 16 : index
        %parallel_loop3A_401 = tpu.vector_load %arg7[%parallel_loop3A_398, %parallel_loop3A_399, %parallel_loop3A_400] {strides = array<i32>} : memref<10x128x64xf32, #tpu.memory_space<vmem>>, vector<1x1x16xf32>,
        %parallel_loop3A_402 = vector.shape_cast %parallel_loop3A_401 : vector<1x1x16xf32> to vector<16xf32>
        %parallel_loop3A_403 = arith.addf %parallel_loop3A_389, %parallel_loop3A_402 : vector<16xf32>
        %parallel_loop3A_404 = arith.index_cast %rem3A_141 : i32 to index
        %parallel_loop3A_405 = arith.index_cast %parallel_loop3A_387 : i32 to index
        %parallel_loop3A_406 = arith.constant 32 : index
        %parallel_loop3A_407 = tpu.vector_load %arg7[%parallel_loop3A_404, %parallel_loop3A_405, %parallel_loop3A_406] {strides = array<i32>} : memref<10x128x64xf32, #tpu.memory_space<vmem>>, vector<1x1x16xf32>,
        %parallel_loop3A_408 = vector.shape_cast %parallel_loop3A_407 : vector<1x1x16xf32> to vector<16xf32>
        %parallel_loop3A_409 = arith.addf %parallel_loop3A_390, %parallel_loop3A_408 : vector<16xf32>
        %parallel_loop3A_410 = arith.index_cast %rem3A_141 : i32 to index
        %parallel_loop3A_411 = arith.index_cast %parallel_loop3A_387 : i32 to index
        %parallel_loop3A_412 = arith.constant 48 : index
        %parallel_loop3A_413 = tpu.vector_load %arg7[%parallel_loop3A_410, %parallel_loop3A_411, %parallel_loop3A_412] {strides = array<i32>} : memref<10x128x64xf32, #tpu.memory_space<vmem>>, vector<1x1x16xf32>,
        %parallel_loop3A_414 = vector.shape_cast %parallel_loop3A_413 : vector<1x1x16xf32> to vector<16xf32>
        %parallel_loop3A_415 = arith.addf %parallel_loop3A_391, %parallel_loop3A_414 : vector<16xf32>
        scf.yield %parallel_loop3A_397, %parallel_loop3A_403, %parallel_loop3A_409, %parallel_loop3A_415 : vector<16xf32>, vector<16xf32>, vector<16xf32>, vector<16xf32>
      } {sc.loop_unroll_factor = 4 : i64, sc.parallel_access}
      %parallel_loop3A_171 = arith.constant 128 : i32
      %parallel_loop3A_172 = arith.constant 1 : i32
      %parallel_loop3A_173:4 = scf.for %parallel_loop3A_387 = %min3A_168 to %parallel_loop3A_171 step %parallel_loop3A_172 iter_args(%parallel_loop3A_388 = %broadcast_in_dim3A_3, %parallel_loop3A_389 = %broadcast_in_dim3A_3, %parallel_loop3A_390 = %broadcast_in_dim3A_3, %parallel_loop3A_391 = %broadcast_in_dim3A_3) -> (vector<16xf32>, vector<16xf32>, vector<16xf32>, vector<16xf32>)  : i32 {
        %parallel_loop3A_392 = arith.index_cast %rem3A_141 : i32 to index
        %parallel_loop3A_393 = arith.index_cast %parallel_loop3A_387 : i32 to index
        %parallel_loop3A_394 = arith.constant 0 : index
        %parallel_loop3A_395 = tpu.vector_load %arg7[%parallel_loop3A_392, %parallel_loop3A_393, %parallel_loop3A_394] {strides = array<i32>} : memref<10x128x64xf32, #tpu.memory_space<vmem>>, vector<1x1x16xf32>,
        %parallel_loop3A_396 = vector.shape_cast %parallel_loop3A_395 : vector<1x1x16xf32> to vector<16xf32>
        %parallel_loop3A_397 = arith.addf %parallel_loop3A_388, %parallel_loop3A_396 : vector<16xf32>
        %parallel_loop3A_398 = arith.index_cast %rem3A_141 : i32 to index
        %parallel_loop3A_399 = arith.index_cast %parallel_loop3A_387 : i32 to index
        %parallel_loop3A_400 = arith.constant 16 : index
        %parallel_loop3A_401 = tpu.vector_load %arg7[%parallel_loop3A_398, %parallel_loop3A_399, %parallel_loop3A_400] {strides = array<i32>} : memref<10x128x64xf32, #tpu.memory_space<vmem>>, vector<1x1x16xf32>,
        %parallel_loop3A_402 = vector.shape_cast %parallel_loop3A_401 : vector<1x1x16xf32> to vector<16xf32>
        %parallel_loop3A_403 = arith.addf %parallel_loop3A_389, %parallel_loop3A_402 : vector<16xf32>
        %parallel_loop3A_404 = arith.index_cast %rem3A_141 : i32 to index
        %parallel_loop3A_405 = arith.index_cast %parallel_loop3A_387 : i32 to index
        %parallel_loop3A_406 = arith.constant 32 : index
        %parallel_loop3A_407 = tpu.vector_load %arg7[%parallel_loop3A_404, %parallel_loop3A_405, %parallel_loop3A_406] {strides = array<i32>} : memref<10x128x64xf32, #tpu.memory_space<vmem>>, vector<1x1x16xf32>,
        %parallel_loop3A_408 = vector.shape_cast %parallel_loop3A_407 : vector<1x1x16xf32> to vector<16xf32>
        %parallel_loop3A_409 = arith.addf %parallel_loop3A_390, %parallel_loop3A_408 : vector<16xf32>
        %parallel_loop3A_410 = arith.index_cast %rem3A_141 : i32 to index
        %parallel_loop3A_411 = arith.index_cast %parallel_loop3A_387 : i32 to index
        %parallel_loop3A_412 = arith.constant 48 : index
        %parallel_loop3A_413 = tpu.vector_load %arg7[%parallel_loop3A_410, %parallel_loop3A_411, %parallel_loop3A_412] {strides = array<i32>} : memref<10x128x64xf32, #tpu.memory_space<vmem>>, vector<1x1x16xf32>,
        %parallel_loop3A_414 = vector.shape_cast %parallel_loop3A_413 : vector<1x1x16xf32> to vector<16xf32>
        %parallel_loop3A_415 = arith.addf %parallel_loop3A_391, %parallel_loop3A_414 : vector<16xf32>
        scf.yield %parallel_loop3A_397, %parallel_loop3A_403, %parallel_loop3A_409, %parallel_loop3A_415 : vector<16xf32>, vector<16xf32>, vector<16xf32>, vector<16xf32>
      } {sc.loop_unroll_factor = 4 : i64, sc.parallel_access}
      %get3A = arith.index_cast %shift_right_arithmetic3A_163 : i32 to index
      %get3A_174 = arith.constant 0 : index
      %get3A_175 = tpu.vector_load %arg8[%get3A, %get3A_174] {strides = array<i32>} : memref<128x64xf32, #tpu.memory_space<vmem>>, vector<1x16xf32>,
      %get3A_176 = vector.shape_cast %get3A_175 : vector<1x16xf32> to vector<16xf32>
      %add3A_177 = arith.addf %get3A_176, %parallel_loop3A_170#0 : vector<16xf32>
      %swap3A = arith.index_cast %shift_right_arithmetic3A_163 : i32 to index
      %swap3A_178 = arith.constant 0 : index
      %swap3A_179 = tpu.vector_load %arg8[%swap3A, %swap3A_178] {strides = array<i32>} : memref<128x64xf32, #tpu.memory_space<vmem>>, vector<1x16xf32>,
      %swap3A_180 = vector.shape_cast %swap3A_179 : vector<1x16xf32> to vector<16xf32>
      %swap3A_181 = vector.shape_cast %add3A_177 : vector<16xf32> to vector<1x16xf32>
      tpu.vector_store %arg8[%swap3A, %swap3A_178], %swap3A_181 {strides = array<i32>} : memref<128x64xf32, #tpu.memory_space<vmem>>, vector<1x16xf32>,
      %get3A_182 = arith.index_cast %shift_right_arithmetic3A_163 : i32 to index
      %get3A_183 = arith.constant 16 : index
      %get3A_184 = tpu.vector_load %arg8[%get3A_182, %get3A_183] {strides = array<i32>} : memref<128x64xf32, #tpu.memory_space<vmem>>, vector<1x16xf32>,
      %get3A_185 = vector.shape_cast %get3A_184 : vector<1x16xf32> to vector<16xf32>
      %add3A_186 = arith.addf %get3A_185, %parallel_loop3A_170#1 : vector<16xf32>
      %swap3A_187 = arith.index_cast %shift_right_arithmetic3A_163 : i32 to index
      %swap3A_188 = arith.constant 16 : index
      %swap3A_189 = tpu.vector_load %arg8[%swap3A_187, %swap3A_188] {strides = array<i32>} : memref<128x64xf32, #tpu.memory_space<vmem>>, vector<1x16xf32>,
      %swap3A_190 = vector.shape_cast %swap3A_189 : vector<1x16xf32> to vector<16xf32>
      %swap3A_191 = vector.shape_cast %add3A_186 : vector<16xf32> to vector<1x16xf32>
      tpu.vector_store %arg8[%swap3A_187, %swap3A_188], %swap3A_191 {strides = array<i32>} : memref<128x64xf32, #tpu.memory_space<vmem>>, vector<1x16xf32>,
      %get3A_192 = arith.index_cast %shift_right_arithmetic3A_163 : i32 to index
      %get3A_193 = arith.constant 32 : index
      %get3A_194 = tpu.vector_load %arg8[%get3A_192, %get3A_193] {strides = array<i32>} : memref<128x64xf32, #tpu.memory_space<vmem>>, vector<1x16xf32>,
      %get3A_195 = vector.shape_cast %get3A_194 : vector<1x16xf32> to vector<16xf32>
      %add3A_196 = arith.addf %get3A_195, %parallel_loop3A_170#2 : vector<16xf32>
      %swap3A_197 = arith.index_cast %shift_right_arithmetic3A_163 : i32 to index
      %swap3A_198 = arith.constant 32 : index
      %swap3A_199 = tpu.vector_load %arg8[%swap3A_197, %swap3A_198] {strides = array<i32>} : memref<128x64xf32, #tpu.memory_space<vmem>>, vector<1x16xf32>,
      %swap3A_200 = vector.shape_cast %swap3A_199 : vector<1x16xf32> to vector<16xf32>
      %swap3A_201 = vector.shape_cast %add3A_196 : vector<16xf32> to vector<1x16xf32>
      tpu.vector_store %arg8[%swap3A_197, %swap3A_198], %swap3A_201 {strides = array<i32>} : memref<128x64xf32, #tpu.memory_space<vmem>>, vector<1x16xf32>,
      %get3A_202 = arith.index_cast %shift_right_arithmetic3A_163 : i32 to index
      %get3A_203 = arith.constant 48 : index
      %get3A_204 = tpu.vector_load %arg8[%get3A_202, %get3A_203] {strides = array<i32>} : memref<128x64xf32, #tpu.memory_space<vmem>>, vector<1x16xf32>,
      %get3A_205 = vector.shape_cast %get3A_204 : vector<1x16xf32> to vector<16xf32>
      %add3A_206 = arith.addf %get3A_205, %parallel_loop3A_170#3 : vector<16xf32>
      %swap3A_207 = arith.index_cast %shift_right_arithmetic3A_163 : i32 to index
      %swap3A_208 = arith.constant 48 : index
      %swap3A_209 = tpu.vector_load %arg8[%swap3A_207, %swap3A_208] {strides = array<i32>} : memref<128x64xf32, #tpu.memory_space<vmem>>, vector<1x16xf32>,
      %swap3A_210 = vector.shape_cast %swap3A_209 : vector<1x16xf32> to vector<16xf32>
      %swap3A_211 = vector.shape_cast %add3A_206 : vector<16xf32> to vector<1x16xf32>
      tpu.vector_store %arg8[%swap3A_207, %swap3A_208], %swap3A_211 {strides = array<i32>} : memref<128x64xf32, #tpu.memory_space<vmem>>, vector<1x16xf32>,
      %lt3A_212 = arith.constant 128 : i32
      %lt3A_213 = arith.cmpi slt, %min3A_168, %lt3A_212 : i32
      %convert_element_type3A_214 = arith.extui %lt3A_213 : i1 to i32
      %cond3A_215 = arith.constant 0 : i32
      %cond3A_216 = arith.cmpi ne, %convert_element_type3A_214, %cond3A_215 : i32
      scf.if %cond3A_216 {
        %add3A_387 = arith.constant 1 : i32
        %add3A_388 = arith.addi %shift_right_arithmetic3A_163, %add3A_387 : i32
        %get3A_389 = arith.index_cast %add3A_388 : i32 to index
        %get3A_390 = arith.constant 0 : index
        %get3A_391 = tpu.vector_load %arg8[%get3A_389, %get3A_390] {strides = array<i32>} : memref<128x64xf32, #tpu.memory_space<vmem>>, vector<1x16xf32>,
        %get3A_392 = vector.shape_cast %get3A_391 : vector<1x16xf32> to vector<16xf32>
        %add3A_393 = arith.addf %get3A_392, %parallel_loop3A_173#0 : vector<16xf32>
        %add3A_394 = arith.constant 1 : i32
        %add3A_395 = arith.addi %shift_right_arithmetic3A_163, %add3A_394 : i32
        %swap3A_396 = arith.index_cast %add3A_395 : i32 to index
        %swap3A_397 = arith.constant 0 : index
        %swap3A_398 = tpu.vector_load %arg8[%swap3A_396, %swap3A_397] {strides = array<i32>} : memref<128x64xf32, #tpu.memory_space<vmem>>, vector<1x16xf32>,
        %swap3A_399 = vector.shape_cast %swap3A_398 : vector<1x16xf32> to vector<16xf32>
        %swap3A_400 = vector.shape_cast %add3A_393 : vector<16xf32> to vector<1x16xf32>
        tpu.vector_store %arg8[%swap3A_396, %swap3A_397], %swap3A_400 {strides = array<i32>} : memref<128x64xf32, #tpu.memory_space<vmem>>, vector<1x16xf32>,
        %add3A_401 = arith.constant 1 : i32
        %add3A_402 = arith.addi %shift_right_arithmetic3A_163, %add3A_401 : i32
        %get3A_403 = arith.index_cast %add3A_402 : i32 to index
        %get3A_404 = arith.constant 16 : index
        %get3A_405 = tpu.vector_load %arg8[%get3A_403, %get3A_404] {strides = array<i32>} : memref<128x64xf32, #tpu.memory_space<vmem>>, vector<1x16xf32>,
        %get3A_406 = vector.shape_cast %get3A_405 : vector<1x16xf32> to vector<16xf32>
        %add3A_407 = arith.addf %get3A_406, %parallel_loop3A_173#1 : vector<16xf32>
        %add3A_408 = arith.constant 1 : i32
        %add3A_409 = arith.addi %shift_right_arithmetic3A_163, %add3A_408 : i32
        %swap3A_410 = arith.index_cast %add3A_409 : i32 to index
        %swap3A_411 = arith.constant 16 : index
        %swap3A_412 = tpu.vector_load %arg8[%swap3A_410, %swap3A_411] {strides = array<i32>} : memref<128x64xf32, #tpu.memory_space<vmem>>, vector<1x16xf32>,
        %swap3A_413 = vector.shape_cast %swap3A_412 : vector<1x16xf32> to vector<16xf32>
        %swap3A_414 = vector.shape_cast %add3A_407 : vector<16xf32> to vector<1x16xf32>
        tpu.vector_store %arg8[%swap3A_410, %swap3A_411], %swap3A_414 {strides = array<i32>} : memref<128x64xf32, #tpu.memory_space<vmem>>, vector<1x16xf32>,
        %add3A_415 = arith.constant 1 : i32
        %add3A_416 = arith.addi %shift_right_arithmetic3A_163, %add3A_415 : i32
        %get3A_417 = arith.index_cast %add3A_416 : i32 to index
        %get3A_418 = arith.constant 32 : index
        %get3A_419 = tpu.vector_load %arg8[%get3A_417, %get3A_418] {strides = array<i32>} : memref<128x64xf32, #tpu.memory_space<vmem>>, vector<1x16xf32>,
        %get3A_420 = vector.shape_cast %get3A_419 : vector<1x16xf32> to vector<16xf32>
        %add3A_421 = arith.addf %get3A_420, %parallel_loop3A_173#2 : vector<16xf32>
        %add3A_422 = arith.constant 1 : i32
        %add3A_423 = arith.addi %shift_right_arithmetic3A_163, %add3A_422 : i32
        %swap3A_424 = arith.index_cast %add3A_423 : i32 to index
        %swap3A_425 = arith.constant 32 : index
        %swap3A_426 = tpu.vector_load %arg8[%swap3A_424, %swap3A_425] {strides = array<i32>} : memref<128x64xf32, #tpu.memory_space<vmem>>, vector<1x16xf32>,
        %swap3A_427 = vector.shape_cast %swap3A_426 : vector<1x16xf32> to vector<16xf32>
        %swap3A_428 = vector.shape_cast %add3A_421 : vector<16xf32> to vector<1x16xf32>
        tpu.vector_store %arg8[%swap3A_424, %swap3A_425], %swap3A_428 {strides = array<i32>} : memref<128x64xf32, #tpu.memory_space<vmem>>, vector<1x16xf32>,
        %add3A_429 = arith.constant 1 : i32
        %add3A_430 = arith.addi %shift_right_arithmetic3A_163, %add3A_429 : i32
        %get3A_431 = arith.index_cast %add3A_430 : i32 to index
        %get3A_432 = arith.constant 48 : index
        %get3A_433 = tpu.vector_load %arg8[%get3A_431, %get3A_432] {strides = array<i32>} : memref<128x64xf32, #tpu.memory_space<vmem>>, vector<1x16xf32>,
        %get3A_434 = vector.shape_cast %get3A_433 : vector<1x16xf32> to vector<16xf32>
        %add3A_435 = arith.addf %get3A_434, %parallel_loop3A_173#3 : vector<16xf32>
        %add3A_436 = arith.constant 1 : i32
        %add3A_437 = arith.addi %shift_right_arithmetic3A_163, %add3A_436 : i32
        %swap3A_438 = arith.index_cast %add3A_437 : i32 to index
        %swap3A_439 = arith.constant 48 : index
        %swap3A_440 = tpu.vector_load %arg8[%swap3A_438, %swap3A_439] {strides = array<i32>} : memref<128x64xf32, #tpu.memory_space<vmem>>, vector<1x16xf32>,
        %swap3A_441 = vector.shape_cast %swap3A_440 : vector<1x16xf32> to vector<16xf32>
        %swap3A_442 = vector.shape_cast %add3A_435 : vector<16xf32> to vector<1x16xf32>
        tpu.vector_store %arg8[%swap3A_438, %swap3A_439], %swap3A_442 {strides = array<i32>} : memref<128x64xf32, #tpu.memory_space<vmem>>, vector<1x16xf32>,
      } else {
      }
      %add3A_217 = arith.constant 2 : i32
      %add3A_218 = arith.addi %mul3A_108, %add3A_217 : i32
      %rem3A_219 = arith.constant 10 : i32
      %rem3A_220 = arith.remsi %add3A_218, %rem3A_219 : i32
      %add3A_221 = arith.constant 6 : i32
      %add3A_222 = arith.addi %add3A_218, %add3A_221 : i32
      %lt3A_223 = arith.constant 200 : i32
      %lt3A_224 = arith.cmpi slt, %add3A_222, %lt3A_223 : i32
      %convert_element_type3A_225 = arith.extui %lt3A_224 : i1 to i32
      %cond3A_226 = arith.constant 0 : i32
      %cond3A_227 = arith.cmpi ne, %convert_element_type3A_225, %cond3A_226 : i32
      scf.if %cond3A_227 {
        %add3A_387 = arith.constant 6 : i32
        %add3A_388 = arith.addi %add3A_218, %add3A_387 : i32
        %rem3A_389 = arith.constant 10 : i32
        %rem3A_390 = arith.remsi %add3A_388, %rem3A_389 : i32
        %add3A_391 = arith.constant 6 : i32
        %add3A_392 = arith.addi %add3A_218, %add3A_391 : i32
        %mul3A_393 = arith.constant 128 : i32
        %mul3A_394 = arith.muli %add3A_392, %mul3A_393 : i32
        %dma_start3A_395 = arith.constant 0 : i32
        %dma_start3A_396 = arith.constant 0 : i32
        %dma_start3A_397 = tpu.memref_slice %arg7[%rem3A_390, %dma_start3A_395, %dma_start3A_396] : memref<10x128x64xf32, #tpu.memory_space<vmem>> -> memref<1x128x64xf32, #tpu.memory_space<vmem>>
        %dma_start3A_398 = tpu.memref_squeeze %dma_start3A_397 : memref<1x128x64xf32, #tpu.memory_space<vmem>> -> memref<128x64xf32, #tpu.memory_space<vmem>>
        %dma_start3A_399 = tpu.memref_slice %arg5[%mul3A_394] : memref<25600xi32, #tpu.memory_space<vmem>> -> memref<128xi32, #tpu.memory_space<vmem>>
        %dma_start3A_400 = arith.constant 0 : i32
        %dma_start3A_401 = arith.constant 0 : i32
        %dma_start3A_402 = tpu.memref_slice %arg3[%dma_start3A_400, %dma_start3A_401] : memref<100000x64xf32, #tpu.memory_space<hbm>> -> memref<100000x64xf32, #tpu.memory_space<hbm>>
        tpu.enqueue_indirect_dma source(%dma_start3A_402 : memref<100000x64xf32, #tpu.memory_space<hbm>>) target(%dma_start3A_398 : memref<128x64xf32, #tpu.memory_space<vmem>>) offsets(%dma_start3A_399 : memref<128xi32, #tpu.memory_space<vmem>>) semaphore(%arg10 : memref<!tpu.dma_semaphore, #tpu.memory_space<semaphore_mem>>)
      } else {
      }
      %mul3A_228 = arith.constant 128 : i32
      %mul3A_229 = arith.muli %add3A_218, %mul3A_228 : i32
      %dma_wait3A_230 = arith.constant 0 : i32
      %dma_wait3A_231 = arith.constant 0 : i32
      %dma_wait3A_232 = tpu.memref_slice %arg7[%rem3A_220, %dma_wait3A_230, %dma_wait3A_231] : memref<10x128x64xf32, #tpu.memory_space<vmem>> -> memref<1x128x64xf32, #tpu.memory_space<vmem>>
      %dma_wait3A_233 = tpu.memref_squeeze %dma_wait3A_232 : memref<1x128x64xf32, #tpu.memory_space<vmem>> -> memref<128x64xf32, #tpu.memory_space<vmem>>
      %dma_wait3A_234 = tpu.memref_slice %arg5[%mul3A_229] : memref<25600xi32, #tpu.memory_space<vmem>> -> memref<128xi32, #tpu.memory_space<vmem>>
      %dma_wait3A_235 = arith.constant 0 : i32
      %dma_wait3A_236 = arith.constant 0 : i32
      %dma_wait3A_237 = tpu.memref_slice %arg3[%dma_wait3A_235, %dma_wait3A_236] : memref<100000x64xf32, #tpu.memory_space<hbm>> -> memref<100000x64xf32, #tpu.memory_space<hbm>>
      tpu.wait_indirect_dma semaphore(%arg10 : memref<!tpu.dma_semaphore, #tpu.memory_space<semaphore_mem>>) src(%dma_wait3A_237 : memref<100000x64xf32, #tpu.memory_space<hbm>>) dst(%dma_wait3A_233 : memref<128x64xf32, #tpu.memory_space<vmem>>)
      %mul3A_238 = arith.constant 128 : i32
      %mul3A_239 = arith.muli %add3A_218, %mul3A_238 : i32
      %mul3A_240 = arith.constant 5243 : i32
      %mul3A_241 = arith.muli %mul3A_239, %mul3A_240 : i32
      %shift_right_arithmetic3A_242 = arith.constant 20 : i32
      %shift_right_arithmetic3A_243 = arith.shrsi %mul3A_241, %shift_right_arithmetic3A_242 : i32
      %add3A_244 = arith.constant 1 : i32
      %add3A_245 = arith.addi %shift_right_arithmetic3A_243, %add3A_244 : i32
      %mul3A_246 = arith.constant 200 : i32
      %mul3A_247 = arith.muli %add3A_245, %mul3A_246 : i32
      %sub3A_248 = arith.subi %mul3A_247, %mul3A_239 : i32
      %min3A_249 = arith.constant 128 : i32
      %min3A_250 = arith.minsi %sub3A_248, %min3A_249 : i32
      %parallel_loop3A_251 = arith.constant 0 : i32
      %parallel_loop3A_252 = arith.constant 1 : i32
      %parallel_loop3A_253:4 = scf.for %parallel_loop3A_387 = %parallel_loop3A_251 to %min3A_250 step %parallel_loop3A_252 iter_args(%parallel_loop3A_388 = %broadcast_in_dim3A_3, %parallel_loop3A_389 = %broadcast_in_dim3A_3, %parallel_loop3A_390 = %broadcast_in_dim3A_3, %parallel_loop3A_391 = %broadcast_in_dim3A_3) -> (vector<16xf32>, vector<16xf32>, vector<16xf32>, vector<16xf32>)  : i32 {
        %parallel_loop3A_392 = arith.index_cast %rem3A_220 : i32 to index
        %parallel_loop3A_393 = arith.index_cast %parallel_loop3A_387 : i32 to index
        %parallel_loop3A_394 = arith.constant 0 : index
        %parallel_loop3A_395 = tpu.vector_load %arg7[%parallel_loop3A_392, %parallel_loop3A_393, %parallel_loop3A_394] {strides = array<i32>} : memref<10x128x64xf32, #tpu.memory_space<vmem>>, vector<1x1x16xf32>,
        %parallel_loop3A_396 = vector.shape_cast %parallel_loop3A_395 : vector<1x1x16xf32> to vector<16xf32>
        %parallel_loop3A_397 = arith.addf %parallel_loop3A_388, %parallel_loop3A_396 : vector<16xf32>
        %parallel_loop3A_398 = arith.index_cast %rem3A_220 : i32 to index
        %parallel_loop3A_399 = arith.index_cast %parallel_loop3A_387 : i32 to index
        %parallel_loop3A_400 = arith.constant 16 : index
        %parallel_loop3A_401 = tpu.vector_load %arg7[%parallel_loop3A_398, %parallel_loop3A_399, %parallel_loop3A_400] {strides = array<i32>} : memref<10x128x64xf32, #tpu.memory_space<vmem>>, vector<1x1x16xf32>,
        %parallel_loop3A_402 = vector.shape_cast %parallel_loop3A_401 : vector<1x1x16xf32> to vector<16xf32>
        %parallel_loop3A_403 = arith.addf %parallel_loop3A_389, %parallel_loop3A_402 : vector<16xf32>
        %parallel_loop3A_404 = arith.index_cast %rem3A_220 : i32 to index
        %parallel_loop3A_405 = arith.index_cast %parallel_loop3A_387 : i32 to index
        %parallel_loop3A_406 = arith.constant 32 : index
        %parallel_loop3A_407 = tpu.vector_load %arg7[%parallel_loop3A_404, %parallel_loop3A_405, %parallel_loop3A_406] {strides = array<i32>} : memref<10x128x64xf32, #tpu.memory_space<vmem>>, vector<1x1x16xf32>,
        %parallel_loop3A_408 = vector.shape_cast %parallel_loop3A_407 : vector<1x1x16xf32> to vector<16xf32>
        %parallel_loop3A_409 = arith.addf %parallel_loop3A_390, %parallel_loop3A_408 : vector<16xf32>
        %parallel_loop3A_410 = arith.index_cast %rem3A_220 : i32 to index
        %parallel_loop3A_411 = arith.index_cast %parallel_loop3A_387 : i32 to index
        %parallel_loop3A_412 = arith.constant 48 : index
        %parallel_loop3A_413 = tpu.vector_load %arg7[%parallel_loop3A_410, %parallel_loop3A_411, %parallel_loop3A_412] {strides = array<i32>} : memref<10x128x64xf32, #tpu.memory_space<vmem>>, vector<1x1x16xf32>,
        %parallel_loop3A_414 = vector.shape_cast %parallel_loop3A_413 : vector<1x1x16xf32> to vector<16xf32>
        %parallel_loop3A_415 = arith.addf %parallel_loop3A_391, %parallel_loop3A_414 : vector<16xf32>
        scf.yield %parallel_loop3A_397, %parallel_loop3A_403, %parallel_loop3A_409, %parallel_loop3A_415 : vector<16xf32>, vector<16xf32>, vector<16xf32>, vector<16xf32>
      } {sc.loop_unroll_factor = 4 : i64, sc.parallel_access}
      %parallel_loop3A_254 = arith.constant 128 : i32
      %parallel_loop3A_255 = arith.constant 1 : i32
      %parallel_loop3A_256:4 = scf.for %parallel_loop3A_387 = %min3A_250 to %parallel_loop3A_254 step %parallel_loop3A_255 iter_args(%parallel_loop3A_388 = %broadcast_in_dim3A_3, %parallel_loop3A_389 = %broadcast_in_dim3A_3, %parallel_loop3A_390 = %broadcast_in_dim3A_3, %parallel_loop3A_391 = %broadcast_in_dim3A_3) -> (vector<16xf32>, vector<16xf32>, vector<16xf32>, vector<16xf32>)  : i32 {
        %parallel_loop3A_392 = arith.index_cast %rem3A_220 : i32 to index
        %parallel_loop3A_393 = arith.index_cast %parallel_loop3A_387 : i32 to index
        %parallel_loop3A_394 = arith.constant 0 : index
        %parallel_loop3A_395 = tpu.vector_load %arg7[%parallel_loop3A_392, %parallel_loop3A_393, %parallel_loop3A_394] {strides = array<i32>} : memref<10x128x64xf32, #tpu.memory_space<vmem>>, vector<1x1x16xf32>,
        %parallel_loop3A_396 = vector.shape_cast %parallel_loop3A_395 : vector<1x1x16xf32> to vector<16xf32>
        %parallel_loop3A_397 = arith.addf %parallel_loop3A_388, %parallel_loop3A_396 : vector<16xf32>
        %parallel_loop3A_398 = arith.index_cast %rem3A_220 : i32 to index
        %parallel_loop3A_399 = arith.index_cast %parallel_loop3A_387 : i32 to index
        %parallel_loop3A_400 = arith.constant 16 : index
        %parallel_loop3A_401 = tpu.vector_load %arg7[%parallel_loop3A_398, %parallel_loop3A_399, %parallel_loop3A_400] {strides = array<i32>} : memref<10x128x64xf32, #tpu.memory_space<vmem>>, vector<1x1x16xf32>,
        %parallel_loop3A_402 = vector.shape_cast %parallel_loop3A_401 : vector<1x1x16xf32> to vector<16xf32>
        %parallel_loop3A_403 = arith.addf %parallel_loop3A_389, %parallel_loop3A_402 : vector<16xf32>
        %parallel_loop3A_404 = arith.index_cast %rem3A_220 : i32 to index
        %parallel_loop3A_405 = arith.index_cast %parallel_loop3A_387 : i32 to index
        %parallel_loop3A_406 = arith.constant 32 : index
        %parallel_loop3A_407 = tpu.vector_load %arg7[%parallel_loop3A_404, %parallel_loop3A_405, %parallel_loop3A_406] {strides = array<i32>} : memref<10x128x64xf32, #tpu.memory_space<vmem>>, vector<1x1x16xf32>,
        %parallel_loop3A_408 = vector.shape_cast %parallel_loop3A_407 : vector<1x1x16xf32> to vector<16xf32>
        %parallel_loop3A_409 = arith.addf %parallel_loop3A_390, %parallel_loop3A_408 : vector<16xf32>
        %parallel_loop3A_410 = arith.index_cast %rem3A_220 : i32 to index
        %parallel_loop3A_411 = arith.index_cast %parallel_loop3A_387 : i32 to index
        %parallel_loop3A_412 = arith.constant 48 : index
        %parallel_loop3A_413 = tpu.vector_load %arg7[%parallel_loop3A_410, %parallel_loop3A_411, %parallel_loop3A_412] {strides = array<i32>} : memref<10x128x64xf32, #tpu.memory_space<vmem>>, vector<1x1x16xf32>,
        %parallel_loop3A_414 = vector.shape_cast %parallel_loop3A_413 : vector<1x1x16xf32> to vector<16xf32>
        %parallel_loop3A_415 = arith.addf %parallel_loop3A_391, %parallel_loop3A_414 : vector<16xf32>
        scf.yield %parallel_loop3A_397, %parallel_loop3A_403, %parallel_loop3A_409, %parallel_loop3A_415 : vector<16xf32>, vector<16xf32>, vector<16xf32>, vector<16xf32>
      } {sc.loop_unroll_factor = 4 : i64, sc.parallel_access}
      %get3A_257 = arith.index_cast %shift_right_arithmetic3A_243 : i32 to index
      %get3A_258 = arith.constant 0 : index
      %get3A_259 = tpu.vector_load %arg8[%get3A_257, %get3A_258] {strides = array<i32>} : memref<128x64xf32, #tpu.memory_space<vmem>>, vector<1x16xf32>,
      %get3A_260 = vector.shape_cast %get3A_259 : vector<1x16xf32> to vector<16xf32>
      %add3A_261 = arith.addf %get3A_260, %parallel_loop3A_253#0 : vector<16xf32>
      %swap3A_262 = arith.index_cast %shift_right_arithmetic3A_243 : i32 to index
      %swap3A_263 = arith.constant 0 : index
      %swap3A_264 = tpu.vector_load %arg8[%swap3A_262, %swap3A_263] {strides = array<i32>} : memref<128x64xf32, #tpu.memory_space<vmem>>, vector<1x16xf32>,
      %swap3A_265 = vector.shape_cast %swap3A_264 : vector<1x16xf32> to vector<16xf32>
      %swap3A_266 = vector.shape_cast %add3A_261 : vector<16xf32> to vector<1x16xf32>
      tpu.vector_store %arg8[%swap3A_262, %swap3A_263], %swap3A_266 {strides = array<i32>} : memref<128x64xf32, #tpu.memory_space<vmem>>, vector<1x16xf32>,
      %get3A_267 = arith.index_cast %shift_right_arithmetic3A_243 : i32 to index
      %get3A_268 = arith.constant 16 : index
      %get3A_269 = tpu.vector_load %arg8[%get3A_267, %get3A_268] {strides = array<i32>} : memref<128x64xf32, #tpu.memory_space<vmem>>, vector<1x16xf32>,
      %get3A_270 = vector.shape_cast %get3A_269 : vector<1x16xf32> to vector<16xf32>
      %add3A_271 = arith.addf %get3A_270, %parallel_loop3A_253#1 : vector<16xf32>
      %swap3A_272 = arith.index_cast %shift_right_arithmetic3A_243 : i32 to index
      %swap3A_273 = arith.constant 16 : index
      %swap3A_274 = tpu.vector_load %arg8[%swap3A_272, %swap3A_273] {strides = array<i32>} : memref<128x64xf32, #tpu.memory_space<vmem>>, vector<1x16xf32>,
      %swap3A_275 = vector.shape_cast %swap3A_274 : vector<1x16xf32> to vector<16xf32>
      %swap3A_276 = vector.shape_cast %add3A_271 : vector<16xf32> to vector<1x16xf32>
      tpu.vector_store %arg8[%swap3A_272, %swap3A_273], %swap3A_276 {strides = array<i32>} : memref<128x64xf32, #tpu.memory_space<vmem>>, vector<1x16xf32>,
      %get3A_277 = arith.index_cast %shift_right_arithmetic3A_243 : i32 to index
      %get3A_278 = arith.constant 32 : index
      %get3A_279 = tpu.vector_load %arg8[%get3A_277, %get3A_278] {strides = array<i32>} : memref<128x64xf32, #tpu.memory_space<vmem>>, vector<1x16xf32>,
      %get3A_280 = vector.shape_cast %get3A_279 : vector<1x16xf32> to vector<16xf32>
      %add3A_281 = arith.addf %get3A_280, %parallel_loop3A_253#2 : vector<16xf32>
      %swap3A_282 = arith.index_cast %shift_right_arithmetic3A_243 : i32 to index
      %swap3A_283 = arith.constant 32 : index
      %swap3A_284 = tpu.vector_load %arg8[%swap3A_282, %swap3A_283] {strides = array<i32>} : memref<128x64xf32, #tpu.memory_space<vmem>>, vector<1x16xf32>,
      %swap3A_285 = vector.shape_cast %swap3A_284 : vector<1x16xf32> to vector<16xf32>
      %swap3A_286 = vector.shape_cast %add3A_281 : vector<16xf32> to vector<1x16xf32>
      tpu.vector_store %arg8[%swap3A_282, %swap3A_283], %swap3A_286 {strides = array<i32>} : memref<128x64xf32, #tpu.memory_space<vmem>>, vector<1x16xf32>,
      %get3A_287 = arith.index_cast %shift_right_arithmetic3A_243 : i32 to index
      %get3A_288 = arith.constant 48 : index
      %get3A_289 = tpu.vector_load %arg8[%get3A_287, %get3A_288] {strides = array<i32>} : memref<128x64xf32, #tpu.memory_space<vmem>>, vector<1x16xf32>,
      %get3A_290 = vector.shape_cast %get3A_289 : vector<1x16xf32> to vector<16xf32>
      %add3A_291 = arith.addf %get3A_290, %parallel_loop3A_253#3 : vector<16xf32>
      %swap3A_292 = arith.index_cast %shift_right_arithmetic3A_243 : i32 to index
      %swap3A_293 = arith.constant 48 : index
      %swap3A_294 = tpu.vector_load %arg8[%swap3A_292, %swap3A_293] {strides = array<i32>} : memref<128x64xf32, #tpu.memory_space<vmem>>, vector<1x16xf32>,
      %swap3A_295 = vector.shape_cast %swap3A_294 : vector<1x16xf32> to vector<16xf32>
      %swap3A_296 = vector.shape_cast %add3A_291 : vector<16xf32> to vector<1x16xf32>
      tpu.vector_store %arg8[%swap3A_292, %swap3A_293], %swap3A_296 {strides = array<i32>} : memref<128x64xf32, #tpu.memory_space<vmem>>, vector<1x16xf32>,
      %lt3A_297 = arith.constant 128 : i32
      %lt3A_298 = arith.cmpi slt, %min3A_250, %lt3A_297 : i32
      %convert_element_type3A_299 = arith.extui %lt3A_298 : i1 to i32
      %cond3A_300 = arith.constant 0 : i32
      %cond3A_301 = arith.cmpi ne, %convert_element_type3A_299, %cond3A_300 : i32
      scf.if %cond3A_301 {
        %add3A_387 = arith.constant 1 : i32
        %add3A_388 = arith.addi %shift_right_arithmetic3A_243, %add3A_387 : i32
        %get3A_389 = arith.index_cast %add3A_388 : i32 to index
        %get3A_390 = arith.constant 0 : index
        %get3A_391 = tpu.vector_load %arg8[%get3A_389, %get3A_390] {strides = array<i32>} : memref<128x64xf32, #tpu.memory_space<vmem>>, vector<1x16xf32>,
        %get3A_392 = vector.shape_cast %get3A_391 : vector<1x16xf32> to vector<16xf32>
        %add3A_393 = arith.addf %get3A_392, %parallel_loop3A_256#0 : vector<16xf32>
        %add3A_394 = arith.constant 1 : i32
        %add3A_395 = arith.addi %shift_right_arithmetic3A_243, %add3A_394 : i32
        %swap3A_396 = arith.index_cast %add3A_395 : i32 to index
        %swap3A_397 = arith.constant 0 : index
        %swap3A_398 = tpu.vector_load %arg8[%swap3A_396, %swap3A_397] {strides = array<i32>} : memref<128x64xf32, #tpu.memory_space<vmem>>, vector<1x16xf32>,
        %swap3A_399 = vector.shape_cast %swap3A_398 : vector<1x16xf32> to vector<16xf32>
        %swap3A_400 = vector.shape_cast %add3A_393 : vector<16xf32> to vector<1x16xf32>
        tpu.vector_store %arg8[%swap3A_396, %swap3A_397], %swap3A_400 {strides = array<i32>} : memref<128x64xf32, #tpu.memory_space<vmem>>, vector<1x16xf32>,
        %add3A_401 = arith.constant 1 : i32
        %add3A_402 = arith.addi %shift_right_arithmetic3A_243, %add3A_401 : i32
        %get3A_403 = arith.index_cast %add3A_402 : i32 to index
        %get3A_404 = arith.constant 16 : index
        %get3A_405 = tpu.vector_load %arg8[%get3A_403, %get3A_404] {strides = array<i32>} : memref<128x64xf32, #tpu.memory_space<vmem>>, vector<1x16xf32>,
        %get3A_406 = vector.shape_cast %get3A_405 : vector<1x16xf32> to vector<16xf32>
        %add3A_407 = arith.addf %get3A_406, %parallel_loop3A_256#1 : vector<16xf32>
        %add3A_408 = arith.constant 1 : i32
        %add3A_409 = arith.addi %shift_right_arithmetic3A_243, %add3A_408 : i32
        %swap3A_410 = arith.index_cast %add3A_409 : i32 to index
        %swap3A_411 = arith.constant 16 : index
        %swap3A_412 = tpu.vector_load %arg8[%swap3A_410, %swap3A_411] {strides = array<i32>} : memref<128x64xf32, #tpu.memory_space<vmem>>, vector<1x16xf32>,
        %swap3A_413 = vector.shape_cast %swap3A_412 : vector<1x16xf32> to vector<16xf32>
        %swap3A_414 = vector.shape_cast %add3A_407 : vector<16xf32> to vector<1x16xf32>
        tpu.vector_store %arg8[%swap3A_410, %swap3A_411], %swap3A_414 {strides = array<i32>} : memref<128x64xf32, #tpu.memory_space<vmem>>, vector<1x16xf32>,
        %add3A_415 = arith.constant 1 : i32
        %add3A_416 = arith.addi %shift_right_arithmetic3A_243, %add3A_415 : i32
        %get3A_417 = arith.index_cast %add3A_416 : i32 to index
        %get3A_418 = arith.constant 32 : index
        %get3A_419 = tpu.vector_load %arg8[%get3A_417, %get3A_418] {strides = array<i32>} : memref<128x64xf32, #tpu.memory_space<vmem>>, vector<1x16xf32>,
        %get3A_420 = vector.shape_cast %get3A_419 : vector<1x16xf32> to vector<16xf32>
        %add3A_421 = arith.addf %get3A_420, %parallel_loop3A_256#2 : vector<16xf32>
        %add3A_422 = arith.constant 1 : i32
        %add3A_423 = arith.addi %shift_right_arithmetic3A_243, %add3A_422 : i32
        %swap3A_424 = arith.index_cast %add3A_423 : i32 to index
        %swap3A_425 = arith.constant 32 : index
        %swap3A_426 = tpu.vector_load %arg8[%swap3A_424, %swap3A_425] {strides = array<i32>} : memref<128x64xf32, #tpu.memory_space<vmem>>, vector<1x16xf32>,
        %swap3A_427 = vector.shape_cast %swap3A_426 : vector<1x16xf32> to vector<16xf32>
        %swap3A_428 = vector.shape_cast %add3A_421 : vector<16xf32> to vector<1x16xf32>
        tpu.vector_store %arg8[%swap3A_424, %swap3A_425], %swap3A_428 {strides = array<i32>} : memref<128x64xf32, #tpu.memory_space<vmem>>, vector<1x16xf32>,
        %add3A_429 = arith.constant 1 : i32
        %add3A_430 = arith.addi %shift_right_arithmetic3A_243, %add3A_429 : i32
        %get3A_431 = arith.index_cast %add3A_430 : i32 to index
        %get3A_432 = arith.constant 48 : index
        %get3A_433 = tpu.vector_load %arg8[%get3A_431, %get3A_432] {strides = array<i32>} : memref<128x64xf32, #tpu.memory_space<vmem>>, vector<1x16xf32>,
        %get3A_434 = vector.shape_cast %get3A_433 : vector<1x16xf32> to vector<16xf32>
        %add3A_435 = arith.addf %get3A_434, %parallel_loop3A_256#3 : vector<16xf32>
        %add3A_436 = arith.constant 1 : i32
        %add3A_437 = arith.addi %shift_right_arithmetic3A_243, %add3A_436 : i32
        %swap3A_438 = arith.index_cast %add3A_437 : i32 to index
        %swap3A_439 = arith.constant 48 : index
        %swap3A_440 = tpu.vector_load %arg8[%swap3A_438, %swap3A_439] {strides = array<i32>} : memref<128x64xf32, #tpu.memory_space<vmem>>, vector<1x16xf32>,
        %swap3A_441 = vector.shape_cast %swap3A_440 : vector<1x16xf32> to vector<16xf32>
        %swap3A_442 = vector.shape_cast %add3A_435 : vector<16xf32> to vector<1x16xf32>
        tpu.vector_store %arg8[%swap3A_438, %swap3A_439], %swap3A_442 {strides = array<i32>} : memref<128x64xf32, #tpu.memory_space<vmem>>, vector<1x16xf32>,
      } else {
      }
      %add3A_302 = arith.constant 3 : i32
      %add3A_303 = arith.addi %mul3A_108, %add3A_302 : i32
      %rem3A_304 = arith.constant 10 : i32
      %rem3A_305 = arith.remsi %add3A_303, %rem3A_304 : i32
      %add3A_306 = arith.constant 6 : i32
      %add3A_307 = arith.addi %add3A_303, %add3A_306 : i32
      %lt3A_308 = arith.constant 200 : i32
      %lt3A_309 = arith.cmpi slt, %add3A_307, %lt3A_308 : i32
      %convert_element_type3A_310 = arith.extui %lt3A_309 : i1 to i32
      %cond3A_311 = arith.constant 0 : i32
      %cond3A_312 = arith.cmpi ne, %convert_element_type3A_310, %cond3A_311 : i32
      scf.if %cond3A_312 {
        %add3A_387 = arith.constant 6 : i32
        %add3A_388 = arith.addi %add3A_303, %add3A_387 : i32
        %rem3A_389 = arith.constant 10 : i32
        %rem3A_390 = arith.remsi %add3A_388, %rem3A_389 : i32
        %add3A_391 = arith.constant 6 : i32
        %add3A_392 = arith.addi %add3A_303, %add3A_391 : i32
        %mul3A_393 = arith.constant 128 : i32
        %mul3A_394 = arith.muli %add3A_392, %mul3A_393 : i32
        %dma_start3A_395 = arith.constant 0 : i32
        %dma_start3A_396 = arith.constant 0 : i32
        %dma_start3A_397 = tpu.memref_slice %arg7[%rem3A_390, %dma_start3A_395, %dma_start3A_396] : memref<10x128x64xf32, #tpu.memory_space<vmem>> -> memref<1x128x64xf32, #tpu.memory_space<vmem>>
        %dma_start3A_398 = tpu.memref_squeeze %dma_start3A_397 : memref<1x128x64xf32, #tpu.memory_space<vmem>> -> memref<128x64xf32, #tpu.memory_space<vmem>>
        %dma_start3A_399 = tpu.memref_slice %arg5[%mul3A_394] : memref<25600xi32, #tpu.memory_space<vmem>> -> memref<128xi32, #tpu.memory_space<vmem>>
        %dma_start3A_400 = arith.constant 0 : i32
        %dma_start3A_401 = arith.constant 0 : i32
        %dma_start3A_402 = tpu.memref_slice %arg3[%dma_start3A_400, %dma_start3A_401] : memref<100000x64xf32, #tpu.memory_space<hbm>> -> memref<100000x64xf32, #tpu.memory_space<hbm>>
        tpu.enqueue_indirect_dma source(%dma_start3A_402 : memref<100000x64xf32, #tpu.memory_space<hbm>>) target(%dma_start3A_398 : memref<128x64xf32, #tpu.memory_space<vmem>>) offsets(%dma_start3A_399 : memref<128xi32, #tpu.memory_space<vmem>>) semaphore(%arg10 : memref<!tpu.dma_semaphore, #tpu.memory_space<semaphore_mem>>)
      } else {
      }
      %mul3A_313 = arith.constant 128 : i32
      %mul3A_314 = arith.muli %add3A_303, %mul3A_313 : i32
      %dma_wait3A_315 = arith.constant 0 : i32
      %dma_wait3A_316 = arith.constant 0 : i32
      %dma_wait3A_317 = tpu.memref_slice %arg7[%rem3A_305, %dma_wait3A_315, %dma_wait3A_316] : memref<10x128x64xf32, #tpu.memory_space<vmem>> -> memref<1x128x64xf32, #tpu.memory_space<vmem>>
      %dma_wait3A_318 = tpu.memref_squeeze %dma_wait3A_317 : memref<1x128x64xf32, #tpu.memory_space<vmem>> -> memref<128x64xf32, #tpu.memory_space<vmem>>
      %dma_wait3A_319 = tpu.memref_slice %arg5[%mul3A_314] : memref<25600xi32, #tpu.memory_space<vmem>> -> memref<128xi32, #tpu.memory_space<vmem>>
      %dma_wait3A_320 = arith.constant 0 : i32
      %dma_wait3A_321 = arith.constant 0 : i32
      %dma_wait3A_322 = tpu.memref_slice %arg3[%dma_wait3A_320, %dma_wait3A_321] : memref<100000x64xf32, #tpu.memory_space<hbm>> -> memref<100000x64xf32, #tpu.memory_space<hbm>>
      tpu.wait_indirect_dma semaphore(%arg10 : memref<!tpu.dma_semaphore, #tpu.memory_space<semaphore_mem>>) src(%dma_wait3A_322 : memref<100000x64xf32, #tpu.memory_space<hbm>>) dst(%dma_wait3A_318 : memref<128x64xf32, #tpu.memory_space<vmem>>)
      %mul3A_323 = arith.constant 128 : i32
      %mul3A_324 = arith.muli %add3A_303, %mul3A_323 : i32
      %mul3A_325 = arith.constant 5243 : i32
      %mul3A_326 = arith.muli %mul3A_324, %mul3A_325 : i32
      %shift_right_arithmetic3A_327 = arith.constant 20 : i32
      %shift_right_arithmetic3A_328 = arith.shrsi %mul3A_326, %shift_right_arithmetic3A_327 : i32
      %add3A_329 = arith.constant 1 : i32
      %add3A_330 = arith.addi %shift_right_arithmetic3A_328, %add3A_329 : i32
      %mul3A_331 = arith.constant 200 : i32
      %mul3A_332 = arith.muli %add3A_330, %mul3A_331 : i32
      %sub3A_333 = arith.subi %mul3A_332, %mul3A_324 : i32
      %min3A_334 = arith.constant 128 : i32
      %min3A_335 = arith.minsi %sub3A_333, %min3A_334 : i32
      %parallel_loop3A_336 = arith.constant 0 : i32
      %parallel_loop3A_337 = arith.constant 1 : i32
      %parallel_loop3A_338:4 = scf.for %parallel_loop3A_387 = %parallel_loop3A_336 to %min3A_335 step %parallel_loop3A_337 iter_args(%parallel_loop3A_388 = %broadcast_in_dim3A_3, %parallel_loop3A_389 = %broadcast_in_dim3A_3, %parallel_loop3A_390 = %broadcast_in_dim3A_3, %parallel_loop3A_391 = %broadcast_in_dim3A_3) -> (vector<16xf32>, vector<16xf32>, vector<16xf32>, vector<16xf32>)  : i32 {
        %parallel_loop3A_392 = arith.index_cast %rem3A_305 : i32 to index
        %parallel_loop3A_393 = arith.index_cast %parallel_loop3A_387 : i32 to index
        %parallel_loop3A_394 = arith.constant 0 : index
        %parallel_loop3A_395 = tpu.vector_load %arg7[%parallel_loop3A_392, %parallel_loop3A_393, %parallel_loop3A_394] {strides = array<i32>} : memref<10x128x64xf32, #tpu.memory_space<vmem>>, vector<1x1x16xf32>,
        %parallel_loop3A_396 = vector.shape_cast %parallel_loop3A_395 : vector<1x1x16xf32> to vector<16xf32>
        %parallel_loop3A_397 = arith.addf %parallel_loop3A_388, %parallel_loop3A_396 : vector<16xf32>
        %parallel_loop3A_398 = arith.index_cast %rem3A_305 : i32 to index
        %parallel_loop3A_399 = arith.index_cast %parallel_loop3A_387 : i32 to index
        %parallel_loop3A_400 = arith.constant 16 : index
        %parallel_loop3A_401 = tpu.vector_load %arg7[%parallel_loop3A_398, %parallel_loop3A_399, %parallel_loop3A_400] {strides = array<i32>} : memref<10x128x64xf32, #tpu.memory_space<vmem>>, vector<1x1x16xf32>,
        %parallel_loop3A_402 = vector.shape_cast %parallel_loop3A_401 : vector<1x1x16xf32> to vector<16xf32>
        %parallel_loop3A_403 = arith.addf %parallel_loop3A_389, %parallel_loop3A_402 : vector<16xf32>
        %parallel_loop3A_404 = arith.index_cast %rem3A_305 : i32 to index
        %parallel_loop3A_405 = arith.index_cast %parallel_loop3A_387 : i32 to index
        %parallel_loop3A_406 = arith.constant 32 : index
        %parallel_loop3A_407 = tpu.vector_load %arg7[%parallel_loop3A_404, %parallel_loop3A_405, %parallel_loop3A_406] {strides = array<i32>} : memref<10x128x64xf32, #tpu.memory_space<vmem>>, vector<1x1x16xf32>,
        %parallel_loop3A_408 = vector.shape_cast %parallel_loop3A_407 : vector<1x1x16xf32> to vector<16xf32>
        %parallel_loop3A_409 = arith.addf %parallel_loop3A_390, %parallel_loop3A_408 : vector<16xf32>
        %parallel_loop3A_410 = arith.index_cast %rem3A_305 : i32 to index
        %parallel_loop3A_411 = arith.index_cast %parallel_loop3A_387 : i32 to index
        %parallel_loop3A_412 = arith.constant 48 : index
        %parallel_loop3A_413 = tpu.vector_load %arg7[%parallel_loop3A_410, %parallel_loop3A_411, %parallel_loop3A_412] {strides = array<i32>} : memref<10x128x64xf32, #tpu.memory_space<vmem>>, vector<1x1x16xf32>,
        %parallel_loop3A_414 = vector.shape_cast %parallel_loop3A_413 : vector<1x1x16xf32> to vector<16xf32>
        %parallel_loop3A_415 = arith.addf %parallel_loop3A_391, %parallel_loop3A_414 : vector<16xf32>
        scf.yield %parallel_loop3A_397, %parallel_loop3A_403, %parallel_loop3A_409, %parallel_loop3A_415 : vector<16xf32>, vector<16xf32>, vector<16xf32>, vector<16xf32>
      } {sc.loop_unroll_factor = 4 : i64, sc.parallel_access}
      %parallel_loop3A_339 = arith.constant 128 : i32
      %parallel_loop3A_340 = arith.constant 1 : i32
      %parallel_loop3A_341:4 = scf.for %parallel_loop3A_387 = %min3A_335 to %parallel_loop3A_339 step %parallel_loop3A_340 iter_args(%parallel_loop3A_388 = %broadcast_in_dim3A_3, %parallel_loop3A_389 = %broadcast_in_dim3A_3, %parallel_loop3A_390 = %broadcast_in_dim3A_3, %parallel_loop3A_391 = %broadcast_in_dim3A_3) -> (vector<16xf32>, vector<16xf32>, vector<16xf32>, vector<16xf32>)  : i32 {
        %parallel_loop3A_392 = arith.index_cast %rem3A_305 : i32 to index
        %parallel_loop3A_393 = arith.index_cast %parallel_loop3A_387 : i32 to index
        %parallel_loop3A_394 = arith.constant 0 : index
        %parallel_loop3A_395 = tpu.vector_load %arg7[%parallel_loop3A_392, %parallel_loop3A_393, %parallel_loop3A_394] {strides = array<i32>} : memref<10x128x64xf32, #tpu.memory_space<vmem>>, vector<1x1x16xf32>,
        %parallel_loop3A_396 = vector.shape_cast %parallel_loop3A_395 : vector<1x1x16xf32> to vector<16xf32>
        %parallel_loop3A_397 = arith.addf %parallel_loop3A_388, %parallel_loop3A_396 : vector<16xf32>
        %parallel_loop3A_398 = arith.index_cast %rem3A_305 : i32 to index
        %parallel_loop3A_399 = arith.index_cast %parallel_loop3A_387 : i32 to index
        %parallel_loop3A_400 = arith.constant 16 : index
        %parallel_loop3A_401 = tpu.vector_load %arg7[%parallel_loop3A_398, %parallel_loop3A_399, %parallel_loop3A_400] {strides = array<i32>} : memref<10x128x64xf32, #tpu.memory_space<vmem>>, vector<1x1x16xf32>,
        %parallel_loop3A_402 = vector.shape_cast %parallel_loop3A_401 : vector<1x1x16xf32> to vector<16xf32>
        %parallel_loop3A_403 = arith.addf %parallel_loop3A_389, %parallel_loop3A_402 : vector<16xf32>
        %parallel_loop3A_404 = arith.index_cast %rem3A_305 : i32 to index
        %parallel_loop3A_405 = arith.index_cast %parallel_loop3A_387 : i32 to index
        %parallel_loop3A_406 = arith.constant 32 : index
        %parallel_loop3A_407 = tpu.vector_load %arg7[%parallel_loop3A_404, %parallel_loop3A_405, %parallel_loop3A_406] {strides = array<i32>} : memref<10x128x64xf32, #tpu.memory_space<vmem>>, vector<1x1x16xf32>,
        %parallel_loop3A_408 = vector.shape_cast %parallel_loop3A_407 : vector<1x1x16xf32> to vector<16xf32>
        %parallel_loop3A_409 = arith.addf %parallel_loop3A_390, %parallel_loop3A_408 : vector<16xf32>
        %parallel_loop3A_410 = arith.index_cast %rem3A_305 : i32 to index
        %parallel_loop3A_411 = arith.index_cast %parallel_loop3A_387 : i32 to index
        %parallel_loop3A_412 = arith.constant 48 : index
        %parallel_loop3A_413 = tpu.vector_load %arg7[%parallel_loop3A_410, %parallel_loop3A_411, %parallel_loop3A_412] {strides = array<i32>} : memref<10x128x64xf32, #tpu.memory_space<vmem>>, vector<1x1x16xf32>,
        %parallel_loop3A_414 = vector.shape_cast %parallel_loop3A_413 : vector<1x1x16xf32> to vector<16xf32>
        %parallel_loop3A_415 = arith.addf %parallel_loop3A_391, %parallel_loop3A_414 : vector<16xf32>
        scf.yield %parallel_loop3A_397, %parallel_loop3A_403, %parallel_loop3A_409, %parallel_loop3A_415 : vector<16xf32>, vector<16xf32>, vector<16xf32>, vector<16xf32>
      } {sc.loop_unroll_factor = 4 : i64, sc.parallel_access}
      %get3A_342 = arith.index_cast %shift_right_arithmetic3A_328 : i32 to index
      %get3A_343 = arith.constant 0 : index
      %get3A_344 = tpu.vector_load %arg8[%get3A_342, %get3A_343] {strides = array<i32>} : memref<128x64xf32, #tpu.memory_space<vmem>>, vector<1x16xf32>,
      %get3A_345 = vector.shape_cast %get3A_344 : vector<1x16xf32> to vector<16xf32>
      %add3A_346 = arith.addf %get3A_345, %parallel_loop3A_338#0 : vector<16xf32>
      %swap3A_347 = arith.index_cast %shift_right_arithmetic3A_328 : i32 to index
      %swap3A_348 = arith.constant 0 : index
      %swap3A_349 = tpu.vector_load %arg8[%swap3A_347, %swap3A_348] {strides = array<i32>} : memref<128x64xf32, #tpu.memory_space<vmem>>, vector<1x16xf32>,
      %swap3A_350 = vector.shape_cast %swap3A_349 : vector<1x16xf32> to vector<16xf32>
      %swap3A_351 = vector.shape_cast %add3A_346 : vector<16xf32> to vector<1x16xf32>
      tpu.vector_store %arg8[%swap3A_347, %swap3A_348], %swap3A_351 {strides = array<i32>} : memref<128x64xf32, #tpu.memory_space<vmem>>, vector<1x16xf32>,
      %get3A_352 = arith.index_cast %shift_right_arithmetic3A_328 : i32 to index
      %get3A_353 = arith.constant 16 : index
      %get3A_354 = tpu.vector_load %arg8[%get3A_352, %get3A_353] {strides = array<i32>} : memref<128x64xf32, #tpu.memory_space<vmem>>, vector<1x16xf32>,
      %get3A_355 = vector.shape_cast %get3A_354 : vector<1x16xf32> to vector<16xf32>
      %add3A_356 = arith.addf %get3A_355, %parallel_loop3A_338#1 : vector<16xf32>
      %swap3A_357 = arith.index_cast %shift_right_arithmetic3A_328 : i32 to index
      %swap3A_358 = arith.constant 16 : index
      %swap3A_359 = tpu.vector_load %arg8[%swap3A_357, %swap3A_358] {strides = array<i32>} : memref<128x64xf32, #tpu.memory_space<vmem>>, vector<1x16xf32>,
      %swap3A_360 = vector.shape_cast %swap3A_359 : vector<1x16xf32> to vector<16xf32>
      %swap3A_361 = vector.shape_cast %add3A_356 : vector<16xf32> to vector<1x16xf32>
      tpu.vector_store %arg8[%swap3A_357, %swap3A_358], %swap3A_361 {strides = array<i32>} : memref<128x64xf32, #tpu.memory_space<vmem>>, vector<1x16xf32>,
      %get3A_362 = arith.index_cast %shift_right_arithmetic3A_328 : i32 to index
      %get3A_363 = arith.constant 32 : index
      %get3A_364 = tpu.vector_load %arg8[%get3A_362, %get3A_363] {strides = array<i32>} : memref<128x64xf32, #tpu.memory_space<vmem>>, vector<1x16xf32>,
      %get3A_365 = vector.shape_cast %get3A_364 : vector<1x16xf32> to vector<16xf32>
      %add3A_366 = arith.addf %get3A_365, %parallel_loop3A_338#2 : vector<16xf32>
      %swap3A_367 = arith.index_cast %shift_right_arithmetic3A_328 : i32 to index
      %swap3A_368 = arith.constant 32 : index
      %swap3A_369 = tpu.vector_load %arg8[%swap3A_367, %swap3A_368] {strides = array<i32>} : memref<128x64xf32, #tpu.memory_space<vmem>>, vector<1x16xf32>,
      %swap3A_370 = vector.shape_cast %swap3A_369 : vector<1x16xf32> to vector<16xf32>
      %swap3A_371 = vector.shape_cast %add3A_366 : vector<16xf32> to vector<1x16xf32>
      tpu.vector_store %arg8[%swap3A_367, %swap3A_368], %swap3A_371 {strides = array<i32>} : memref<128x64xf32, #tpu.memory_space<vmem>>, vector<1x16xf32>,
      %get3A_372 = arith.index_cast %shift_right_arithmetic3A_328 : i32 to index
      %get3A_373 = arith.constant 48 : index
      %get3A_374 = tpu.vector_load %arg8[%get3A_372, %get3A_373] {strides = array<i32>} : memref<128x64xf32, #tpu.memory_space<vmem>>, vector<1x16xf32>,
      %get3A_375 = vector.shape_cast %get3A_374 : vector<1x16xf32> to vector<16xf32>
      %add3A_376 = arith.addf %get3A_375, %parallel_loop3A_338#3 : vector<16xf32>
      %swap3A_377 = arith.index_cast %shift_right_arithmetic3A_328 : i32 to index
      %swap3A_378 = arith.constant 48 : index
      %swap3A_379 = tpu.vector_load %arg8[%swap3A_377, %swap3A_378] {strides = array<i32>} : memref<128x64xf32, #tpu.memory_space<vmem>>, vector<1x16xf32>,
      %swap3A_380 = vector.shape_cast %swap3A_379 : vector<1x16xf32> to vector<16xf32>
      %swap3A_381 = vector.shape_cast %add3A_376 : vector<16xf32> to vector<1x16xf32>
      tpu.vector_store %arg8[%swap3A_377, %swap3A_378], %swap3A_381 {strides = array<i32>} : memref<128x64xf32, #tpu.memory_space<vmem>>, vector<1x16xf32>,
      %lt3A_382 = arith.constant 128 : i32
      %lt3A_383 = arith.cmpi slt, %min3A_335, %lt3A_382 : i32
      %convert_element_type3A_384 = arith.extui %lt3A_383 : i1 to i32
      %cond3A_385 = arith.constant 0 : i32
      %cond3A_386 = arith.cmpi ne, %convert_element_type3A_384, %cond3A_385 : i32
      scf.if %cond3A_386 {
        %add3A_387 = arith.constant 1 : i32
        %add3A_388 = arith.addi %shift_right_arithmetic3A_328, %add3A_387 : i32
        %get3A_389 = arith.index_cast %add3A_388 : i32 to index
        %get3A_390 = arith.constant 0 : index
        %get3A_391 = tpu.vector_load %arg8[%get3A_389, %get3A_390] {strides = array<i32>} : memref<128x64xf32, #tpu.memory_space<vmem>>, vector<1x16xf32>,
        %get3A_392 = vector.shape_cast %get3A_391 : vector<1x16xf32> to vector<16xf32>
        %add3A_393 = arith.addf %get3A_392, %parallel_loop3A_341#0 : vector<16xf32>
        %add3A_394 = arith.constant 1 : i32
        %add3A_395 = arith.addi %shift_right_arithmetic3A_328, %add3A_394 : i32
        %swap3A_396 = arith.index_cast %add3A_395 : i32 to index
        %swap3A_397 = arith.constant 0 : index
        %swap3A_398 = tpu.vector_load %arg8[%swap3A_396, %swap3A_397] {strides = array<i32>} : memref<128x64xf32, #tpu.memory_space<vmem>>, vector<1x16xf32>,
        %swap3A_399 = vector.shape_cast %swap3A_398 : vector<1x16xf32> to vector<16xf32>
        %swap3A_400 = vector.shape_cast %add3A_393 : vector<16xf32> to vector<1x16xf32>
        tpu.vector_store %arg8[%swap3A_396, %swap3A_397], %swap3A_400 {strides = array<i32>} : memref<128x64xf32, #tpu.memory_space<vmem>>, vector<1x16xf32>,
        %add3A_401 = arith.constant 1 : i32
        %add3A_402 = arith.addi %shift_right_arithmetic3A_328, %add3A_401 : i32
        %get3A_403 = arith.index_cast %add3A_402 : i32 to index
        %get3A_404 = arith.constant 16 : index
        %get3A_405 = tpu.vector_load %arg8[%get3A_403, %get3A_404] {strides = array<i32>} : memref<128x64xf32, #tpu.memory_space<vmem>>, vector<1x16xf32>,
        %get3A_406 = vector.shape_cast %get3A_405 : vector<1x16xf32> to vector<16xf32>
        %add3A_407 = arith.addf %get3A_406, %parallel_loop3A_341#1 : vector<16xf32>
        %add3A_408 = arith.constant 1 : i32
        %add3A_409 = arith.addi %shift_right_arithmetic3A_328, %add3A_408 : i32
        %swap3A_410 = arith.index_cast %add3A_409 : i32 to index
        %swap3A_411 = arith.constant 16 : index
        %swap3A_412 = tpu.vector_load %arg8[%swap3A_410, %swap3A_411] {strides = array<i32>} : memref<128x64xf32, #tpu.memory_space<vmem>>, vector<1x16xf32>,
        %swap3A_413 = vector.shape_cast %swap3A_412 : vector<1x16xf32> to vector<16xf32>
        %swap3A_414 = vector.shape_cast %add3A_407 : vector<16xf32> to vector<1x16xf32>
        tpu.vector_store %arg8[%swap3A_410, %swap3A_411], %swap3A_414 {strides = array<i32>} : memref<128x64xf32, #tpu.memory_space<vmem>>, vector<1x16xf32>,
        %add3A_415 = arith.constant 1 : i32
        %add3A_416 = arith.addi %shift_right_arithmetic3A_328, %add3A_415 : i32
        %get3A_417 = arith.index_cast %add3A_416 : i32 to index
        %get3A_418 = arith.constant 32 : index
        %get3A_419 = tpu.vector_load %arg8[%get3A_417, %get3A_418] {strides = array<i32>} : memref<128x64xf32, #tpu.memory_space<vmem>>, vector<1x16xf32>,
        %get3A_420 = vector.shape_cast %get3A_419 : vector<1x16xf32> to vector<16xf32>
        %add3A_421 = arith.addf %get3A_420, %parallel_loop3A_341#2 : vector<16xf32>
        %add3A_422 = arith.constant 1 : i32
        %add3A_423 = arith.addi %shift_right_arithmetic3A_328, %add3A_422 : i32
        %swap3A_424 = arith.index_cast %add3A_423 : i32 to index
        %swap3A_425 = arith.constant 32 : index
        %swap3A_426 = tpu.vector_load %arg8[%swap3A_424, %swap3A_425] {strides = array<i32>} : memref<128x64xf32, #tpu.memory_space<vmem>>, vector<1x16xf32>,
        %swap3A_427 = vector.shape_cast %swap3A_426 : vector<1x16xf32> to vector<16xf32>
        %swap3A_428 = vector.shape_cast %add3A_421 : vector<16xf32> to vector<1x16xf32>
        tpu.vector_store %arg8[%swap3A_424, %swap3A_425], %swap3A_428 {strides = array<i32>} : memref<128x64xf32, #tpu.memory_space<vmem>>, vector<1x16xf32>,
        %add3A_429 = arith.constant 1 : i32
        %add3A_430 = arith.addi %shift_right_arithmetic3A_328, %add3A_429 : i32
        %get3A_431 = arith.index_cast %add3A_430 : i32 to index
        %get3A_432 = arith.constant 48 : index
        %get3A_433 = tpu.vector_load %arg8[%get3A_431, %get3A_432] {strides = array<i32>} : memref<128x64xf32, #tpu.memory_space<vmem>>, vector<1x16xf32>,
        %get3A_434 = vector.shape_cast %get3A_433 : vector<1x16xf32> to vector<16xf32>
        %add3A_435 = arith.addf %get3A_434, %parallel_loop3A_341#3 : vector<16xf32>
        %add3A_436 = arith.constant 1 : i32
        %add3A_437 = arith.addi %shift_right_arithmetic3A_328, %add3A_436 : i32
        %swap3A_438 = arith.index_cast %add3A_437 : i32 to index
        %swap3A_439 = arith.constant 48 : index
        %swap3A_440 = tpu.vector_load %arg8[%swap3A_438, %swap3A_439] {strides = array<i32>} : memref<128x64xf32, #tpu.memory_space<vmem>>, vector<1x16xf32>,
        %swap3A_441 = vector.shape_cast %swap3A_440 : vector<1x16xf32> to vector<16xf32>
        %swap3A_442 = vector.shape_cast %add3A_435 : vector<16xf32> to vector<1x16xf32>
        tpu.vector_store %arg8[%swap3A_438, %swap3A_439], %swap3A_442 {strides = array<i32>} : memref<128x64xf32, #tpu.memory_space<vmem>>, vector<1x16xf32>,
      } else {
      }
    }
    %scan3A_83 = arith.constant 50 : i32
    %dma_wait3A = arith.constant 6 : i32
    %dma_wait3A_84 = arith.constant 49 : i32
    %dma_wait3A_85 = arith.constant 0 : i32
    %dma_wait3A_86 = arith.constant 0 : i32
    %dma_wait3A_87 = tpu.memref_slice %arg7[%dma_wait3A, %dma_wait3A_85, %dma_wait3A_86] : memref<10x128x64xf32, #tpu.memory_space<vmem>> -> memref<1x128x64xf32, #tpu.memory_space<vmem>>
    %dma_wait3A_88 = tpu.memref_squeeze %dma_wait3A_87 : memref<1x128x64xf32, #tpu.memory_space<vmem>> -> memref<128x64xf32, #tpu.memory_space<vmem>>
    %dma_wait3A_89 = arith.constant 0 : i32
    %dma_wait3A_90 = tpu.memref_slice %arg6[%dma_wait3A_84, %dma_wait3A_89] : memref<50x128xi32, #tpu.memory_space<vmem>> -> memref<1x128xi32, #tpu.memory_space<vmem>>
    %dma_wait3A_91 = tpu.memref_squeeze %dma_wait3A_90 : memref<1x128xi32, #tpu.memory_space<vmem>> -> memref<128xi32, #tpu.memory_space<vmem>>
    %dma_wait3A_92 = arith.constant 0 : i32
    %dma_wait3A_93 = arith.constant 0 : i32
    %dma_wait3A_94 = tpu.memref_slice %arg9[%dma_wait3A_92, %dma_wait3A_93] : memref<2048x64xf32, #tpu.memory_space<vmem_shared>> -> memref<2048x64xf32, #tpu.memory_space<vmem_shared>>
    tpu.wait_indirect_dma semaphore(%arg11 : memref<!tpu.dma_semaphore, #tpu.memory_space<semaphore_mem>>) src(%dma_wait3A_88 : memref<128x64xf32, #tpu.memory_space<vmem>>) dst(%dma_wait3A_94 : memref<2048x64xf32, #tpu.memory_space<vmem_shared>>)
    %mul3A_95 = arith.constant 128 : i32
    %mul3A_96 = arith.muli %arg1, %mul3A_95 : i32
    %run_scoped3A_97 = arith.constant 0 : i32
    "tpu.region"() ({
      %run_scoped3A_106 = tpu.sem_alloc : memref<!tpu.dma_semaphore, #tpu.memory_space<semaphore_mem>>
      %dma_start3A_107 = arith.constant 0 : i32
      %dma_start3A_108 = arith.constant 0 : i32
      %dma_start3A_109 = tpu.memref_slice %arg7[%run_scoped3A_97, %dma_start3A_107, %dma_start3A_108] : memref<10x128x64xf32, #tpu.memory_space<vmem>> -> memref<1x128x64xf32, #tpu.memory_space<vmem>>
      %dma_start3A_110 = tpu.memref_squeeze %dma_start3A_109 : memref<1x128x64xf32, #tpu.memory_space<vmem>> -> memref<128x64xf32, #tpu.memory_space<vmem>>
      %dma_start3A_111 = arith.constant 0 : i32
      %dma_start3A_112 = tpu.memref_slice %arg9[%mul3A_96, %dma_start3A_111] : memref<2048x64xf32, #tpu.memory_space<vmem_shared>> -> memref<128x64xf32, #tpu.memory_space<vmem_shared>>
      %dma_start3A_113 = arith.constant 0 : i32
      %dma_start3A_114 = arith.constant 0 : i32
      %dma_start3A_115 = tpu.memref_slice %arg7[%run_scoped3A_97, %dma_start3A_113, %dma_start3A_114] : memref<10x128x64xf32, #tpu.memory_space<vmem>> -> memref<1x128x64xf32, #tpu.memory_space<vmem>>
      %dma_start3A_116 = tpu.memref_squeeze %dma_start3A_115 : memref<1x128x64xf32, #tpu.memory_space<vmem>> -> memref<128x64xf32, #tpu.memory_space<vmem>>
      %dma_start3A_117 = arith.constant 0 : i32
      %dma_start3A_118 = tpu.memref_slice %arg9[%mul3A_96, %dma_start3A_117] : memref<2048x64xf32, #tpu.memory_space<vmem_shared>> -> memref<128x64xf32, #tpu.memory_space<vmem_shared>>
      tpu.enqueue_dma source(%dma_start3A_118 : memref<128x64xf32, #tpu.memory_space<vmem_shared>>) target(%dma_start3A_116 : memref<128x64xf32, #tpu.memory_space<vmem>>) target_semaphore(%run_scoped3A_106 : memref<!tpu.dma_semaphore, #tpu.memory_space<semaphore_mem>>)
      %dma_wait3A_119 = arith.constant 0 : i32
      %dma_wait3A_120 = arith.constant 0 : i32
      %dma_wait3A_121 = tpu.memref_slice %arg7[%run_scoped3A_97, %dma_wait3A_119, %dma_wait3A_120] : memref<10x128x64xf32, #tpu.memory_space<vmem>> -> memref<1x128x64xf32, #tpu.memory_space<vmem>>
      %dma_wait3A_122 = tpu.memref_squeeze %dma_wait3A_121 : memref<1x128x64xf32, #tpu.memory_space<vmem>> -> memref<128x64xf32, #tpu.memory_space<vmem>>
      %dma_wait3A_123 = arith.constant 0 : i32
      %dma_wait3A_124 = tpu.memref_slice %arg9[%mul3A_96, %dma_wait3A_123] : memref<2048x64xf32, #tpu.memory_space<vmem_shared>> -> memref<128x64xf32, #tpu.memory_space<vmem_shared>>
      %dma_wait3A_125 = arith.constant 0 : i32
      %dma_wait3A_126 = arith.constant 0 : i32
      %dma_wait3A_127 = tpu.memref_slice %arg7[%run_scoped3A_97, %dma_wait3A_125, %dma_wait3A_126] : memref<10x128x64xf32, #tpu.memory_space<vmem>> -> memref<1x128x64xf32, #tpu.memory_space<vmem>>
      %dma_wait3A_128 = tpu.memref_squeeze %dma_wait3A_127 : memref<1x128x64xf32, #tpu.memory_space<vmem>> -> memref<128x64xf32, #tpu.memory_space<vmem>>
      %dma_wait3A_129 = arith.constant 0 : i32
      %dma_wait3A_130 = tpu.memref_slice %arg9[%mul3A_96, %dma_wait3A_129] : memref<2048x64xf32, #tpu.memory_space<vmem_shared>> -> memref<128x64xf32, #tpu.memory_space<vmem_shared>>
      tpu.wait_dma2 semaphore(%run_scoped3A_106 : memref<!tpu.dma_semaphore, #tpu.memory_space<semaphore_mem>>) src(%dma_wait3A_130 : memref<128x64xf32, #tpu.memory_space<vmem_shared>>) dst(%dma_wait3A_128 : memref<128x64xf32, #tpu.memory_space<vmem>>)
      tpu.yield
    }) : () -> ()
    %scan3A_98 = arith.constant 0 : i32
    %scan3A_99 = arith.constant 0 : i32
    %scan3A_100 = arith.constant 128 : i32
    %scan3A_101 = arith.addi %scan3A_99, %scan3A_100 : i32
    %scan3A_102 = arith.constant 1 : i32
    scf.for %scan3A_106 = %scan3A_99 to %scan3A_101 step %scan3A_102  : i32 {
      %get3A = arith.index_cast %scan3A_106 : i32 to index
      %get3A_107 = arith.constant 0 : index
      %get3A_108 = tpu.vector_load %arg8[%get3A, %get3A_107] {strides = array<i32>} : memref<128x64xf32, #tpu.memory_space<vmem>>, vector<1x16xf32>,
      %get3A_109 = vector.shape_cast %get3A_108 : vector<1x16xf32> to vector<16xf32>
      %get3A_110 = arith.constant 0 : i32
      %get3A_111 = arith.index_cast %get3A_110 : i32 to index
      %get3A_112 = arith.index_cast %scan3A_106 : i32 to index
      %get3A_113 = arith.constant 0 : index
      %get3A_114 = tpu.vector_load %arg7[%get3A_111, %get3A_112, %get3A_113] {strides = array<i32>} : memref<10x128x64xf32, #tpu.memory_space<vmem>>, vector<1x1x16xf32>,
      %get3A_115 = vector.shape_cast %get3A_114 : vector<1x1x16xf32> to vector<16xf32>
      %add3A_116 = arith.addf %get3A_109, %get3A_115 : vector<16xf32>
      %swap3A = arith.index_cast %scan3A_106 : i32 to index
      %swap3A_117 = arith.constant 0 : index
      %swap3A_118 = tpu.vector_load %arg8[%swap3A, %swap3A_117] {strides = array<i32>} : memref<128x64xf32, #tpu.memory_space<vmem>>, vector<1x16xf32>,
      %swap3A_119 = vector.shape_cast %swap3A_118 : vector<1x16xf32> to vector<16xf32>
      %swap3A_120 = vector.shape_cast %add3A_116 : vector<16xf32> to vector<1x16xf32>
      tpu.vector_store %arg8[%swap3A, %swap3A_117], %swap3A_120 {strides = array<i32>} : memref<128x64xf32, #tpu.memory_space<vmem>>, vector<1x16xf32>,
      %get3A_121 = arith.index_cast %scan3A_106 : i32 to index
      %get3A_122 = arith.constant 16 : index
      %get3A_123 = tpu.vector_load %arg8[%get3A_121, %get3A_122] {strides = array<i32>} : memref<128x64xf32, #tpu.memory_space<vmem>>, vector<1x16xf32>,
      %get3A_124 = vector.shape_cast %get3A_123 : vector<1x16xf32> to vector<16xf32>
      %get3A_125 = arith.constant 0 : i32
      %get3A_126 = arith.index_cast %get3A_125 : i32 to index
      %get3A_127 = arith.index_cast %scan3A_106 : i32 to index
      %get3A_128 = arith.constant 16 : index
      %get3A_129 = tpu.vector_load %arg7[%get3A_126, %get3A_127, %get3A_128] {strides = array<i32>} : memref<10x128x64xf32, #tpu.memory_space<vmem>>, vector<1x1x16xf32>,
      %get3A_130 = vector.shape_cast %get3A_129 : vector<1x1x16xf32> to vector<16xf32>
      %add3A_131 = arith.addf %get3A_124, %get3A_130 : vector<16xf32>
      %swap3A_132 = arith.index_cast %scan3A_106 : i32 to index
      %swap3A_133 = arith.constant 16 : index
      %swap3A_134 = tpu.vector_load %arg8[%swap3A_132, %swap3A_133] {strides = array<i32>} : memref<128x64xf32, #tpu.memory_space<vmem>>, vector<1x16xf32>,
      %swap3A_135 = vector.shape_cast %swap3A_134 : vector<1x16xf32> to vector<16xf32>
      %swap3A_136 = vector.shape_cast %add3A_131 : vector<16xf32> to vector<1x16xf32>
      tpu.vector_store %arg8[%swap3A_132, %swap3A_133], %swap3A_136 {strides = array<i32>} : memref<128x64xf32, #tpu.memory_space<vmem>>, vector<1x16xf32>,
      %get3A_137 = arith.index_cast %scan3A_106 : i32 to index
      %get3A_138 = arith.constant 32 : index
      %get3A_139 = tpu.vector_load %arg8[%get3A_137, %get3A_138] {strides = array<i32>} : memref<128x64xf32, #tpu.memory_space<vmem>>, vector<1x16xf32>,
      %get3A_140 = vector.shape_cast %get3A_139 : vector<1x16xf32> to vector<16xf32>
      %get3A_141 = arith.constant 0 : i32
      %get3A_142 = arith.index_cast %get3A_141 : i32 to index
      %get3A_143 = arith.index_cast %scan3A_106 : i32 to index
      %get3A_144 = arith.constant 32 : index
      %get3A_145 = tpu.vector_load %arg7[%get3A_142, %get3A_143, %get3A_144] {strides = array<i32>} : memref<10x128x64xf32, #tpu.memory_space<vmem>>, vector<1x1x16xf32>,
      %get3A_146 = vector.shape_cast %get3A_145 : vector<1x1x16xf32> to vector<16xf32>
      %add3A_147 = arith.addf %get3A_140, %get3A_146 : vector<16xf32>
      %swap3A_148 = arith.index_cast %scan3A_106 : i32 to index
      %swap3A_149 = arith.constant 32 : index
      %swap3A_150 = tpu.vector_load %arg8[%swap3A_148, %swap3A_149] {strides = array<i32>} : memref<128x64xf32, #tpu.memory_space<vmem>>, vector<1x16xf32>,
      %swap3A_151 = vector.shape_cast %swap3A_150 : vector<1x16xf32> to vector<16xf32>
      %swap3A_152 = vector.shape_cast %add3A_147 : vector<16xf32> to vector<1x16xf32>
      tpu.vector_store %arg8[%swap3A_148, %swap3A_149], %swap3A_152 {strides = array<i32>} : memref<128x64xf32, #tpu.memory_space<vmem>>, vector<1x16xf32>,
      %get3A_153 = arith.index_cast %scan3A_106 : i32 to index
      %get3A_154 = arith.constant 48 : index
      %get3A_155 = tpu.vector_load %arg8[%get3A_153, %get3A_154] {strides = array<i32>} : memref<128x64xf32, #tpu.memory_space<vmem>>, vector<1x16xf32>,
      %get3A_156 = vector.shape_cast %get3A_155 : vector<1x16xf32> to vector<16xf32>
      %get3A_157 = arith.constant 0 : i32
      %get3A_158 = arith.index_cast %get3A_157 : i32 to index
      %get3A_159 = arith.index_cast %scan3A_106 : i32 to index
      %get3A_160 = arith.constant 48 : index
      %get3A_161 = tpu.vector_load %arg7[%get3A_158, %get3A_159, %get3A_160] {strides = array<i32>} : memref<10x128x64xf32, #tpu.memory_space<vmem>>, vector<1x1x16xf32>,
      %get3A_162 = vector.shape_cast %get3A_161 : vector<1x1x16xf32> to vector<16xf32>
      %add3A_163 = arith.addf %get3A_156, %get3A_162 : vector<16xf32>
      %swap3A_164 = arith.index_cast %scan3A_106 : i32 to index
      %swap3A_165 = arith.constant 48 : index
      %swap3A_166 = tpu.vector_load %arg8[%swap3A_164, %swap3A_165] {strides = array<i32>} : memref<128x64xf32, #tpu.memory_space<vmem>>, vector<1x16xf32>,
      %swap3A_167 = vector.shape_cast %swap3A_166 : vector<1x16xf32> to vector<16xf32>
      %swap3A_168 = vector.shape_cast %add3A_163 : vector<16xf32> to vector<1x16xf32>
      tpu.vector_store %arg8[%swap3A_164, %swap3A_165], %swap3A_168 {strides = array<i32>} : memref<128x64xf32, #tpu.memory_space<vmem>>, vector<1x16xf32>,
    }
    %scan3A_103 = arith.constant 128 : i32
    %mul3A_104 = arith.constant 128 : i32
    %mul3A_105 = arith.muli %add3A, %mul3A_104 : i32
    "tpu.region"() ({
      %run_scoped3A_106 = tpu.sem_alloc : memref<!tpu.dma_semaphore, #tpu.memory_space<semaphore_mem>>
      %dma_start3A_107 = arith.constant 0 : i32
      %dma_start3A_108 = tpu.memref_slice %arg4[%mul3A_105, %dma_start3A_107] : memref<4096x64xf32, #tpu.memory_space<hbm>> -> memref<128x64xf32, #tpu.memory_space<hbm>>
      %dma_start3A_109 = arith.constant 0 : i32
      %dma_start3A_110 = tpu.memref_slice %arg4[%mul3A_105, %dma_start3A_109] : memref<4096x64xf32, #tpu.memory_space<hbm>> -> memref<128x64xf32, #tpu.memory_space<hbm>>
      tpu.enqueue_dma source(%arg8 : memref<128x64xf32, #tpu.memory_space<vmem>>) target(%dma_start3A_110 : memref<128x64xf32, #tpu.memory_space<hbm>>) target_semaphore(%run_scoped3A_106 : memref<!tpu.dma_semaphore, #tpu.memory_space<semaphore_mem>>)
      %dma_wait3A_111 = arith.constant 0 : i32
      %dma_wait3A_112 = tpu.memref_slice %arg4[%mul3A_105, %dma_wait3A_111] : memref<4096x64xf32, #tpu.memory_space<hbm>> -> memref<128x64xf32, #tpu.memory_space<hbm>>
      %dma_wait3A_113 = arith.constant 0 : i32
      %dma_wait3A_114 = tpu.memref_slice %arg4[%mul3A_105, %dma_wait3A_113] : memref<4096x64xf32, #tpu.memory_space<hbm>> -> memref<128x64xf32, #tpu.memory_space<hbm>>
      tpu.wait_dma2 semaphore(%run_scoped3A_106 : memref<!tpu.dma_semaphore, #tpu.memory_space<semaphore_mem>>) src(%arg8 : memref<128x64xf32, #tpu.memory_space<vmem>>) dst(%dma_wait3A_114 : memref<128x64xf32, #tpu.memory_space<hbm>>)
      tpu.yield
    }) : () -> ()
    return
  }
}

</mosaic_0001>

<sc_bundles>
// kernel: _segment_sums.3.cloned.1.call-start
scs
__scs_entry_jumppad:
0x0: {  	(pc) =	sbr.rel $0x88, $3  }
0x1: {  	(tag) =	ssettag $0x0;
	lr =	simm.s32 $0x1  }
0x2: {  	[smem:$0x3F9F] =	sst lr;
	_ =	strace $0xD0000000  }
0x3: {  	_ = 	snop  }
0x4: {  	_ = 	snop  }
0x5: {  	_ = 	snop  }
0x6: {  	_ = 	snop  }
0x7: {  	_ = 	snop  }
__scs_overlays_trampoline_lowered:
0x8: {  	[smem:$0x3FAE] =	sst s0  }
0x9: {  	[smem:$0x3FAF] =	sst s1  }
0xa: {  	[smem:$0x3FB0] =	sst s2  }
0xb: {  	[smem:$0x3FB1] =	sst s3  }
0xc: {  	[smem:$0x3FB2] =	sst s4  }
0xd: {  	[smem:$0x3FB3] =	sst s5  }
0xe: {  	[smem:$0x3FB4] =	sst s6  }
0xf: {  	[smem:$0x3FB5] =	sst s7  }
0x10: {  	[smem:$0x3FB6] =	sst s8  }
0x11: {  	[smem:$0x3FB7] =	sst s9;
	s0 =	simm.s32 @!p0 $0x0  }
0x12: {  	s1 =	sld [smem:$0x3F9D];
	s0 =	simm.s32 @p0 $0x1  }
0x13: {  	[smem:$0x3FB8] =	sst s0;
	s0 =	simm.s32 @!p1 $0x0  }
0x14: {  	s2 =	sld [smem:$0x3F9C];
	s0 =	simm.s32 @p1 $0x1  }
0x15: {  	[smem:$0x3FB9] =	sst s0;
	s0 =	simm.s32 @!p2 $0x0  }
0x16: {  	s3 =	sld [smem:$0x3FDB];
	s0 =	simm.s32 @p2 $0x1  }
0x17: {  	s4 =	simm.s32 $0x1BF5;
	[smem:$0x3FBB] =	sst s0  }
0x18: {  	s0 =	sld [smem:$0x3F9E];
	_ =	swait.ge [sflag:s4], $0x0  }
0x19: {  	s7 =	sld [smem:$0x3F9F]  }
0x1a: {  	s8 =	sadd.s32 $0xFFFFE003, lr  }
0x1b: {  	s9 =	sadd.s32 $0xFFFFFEF7, lr;
	s5 =	simm.s32 $0xFFFFFFFF;
	p2 =	slt.u32 s8, $0xFFFFF086  }
0x1c: {  	p1 =	slt.u32 s9, $0xF7A;
	s5 =	simm.s32 @!p2 $0x0  }
0x1d: {  	s5 =	simm.s32 @p1 $0x1;
	p0 =	seq.s32 s7, s2  }
0x1e: {  	s7 =	smul.u32 @!p0 $0xF7A, s2;
	p2 =	seq.s32 @!p0 s5, $0x0  }
0x1f: {  	s9 =	smul.u32 $0xF7A, s1;
	s8 =	simm.s32 @!p0 $0x1BF5;
	p2 =	por !p2, p0  }
0x20: {  	[sflag:s8] =	ssyncset.s32 @!p0 $0xFFFFF086;
	s6 =	sadd.s32 @!p0 s3, s7;
	s7 =	simm.s32 @!p0 $0x108  }
0x21: {  	s3 =	sadd.s32 s3, s9;
	s6 =	sadd.s32 @!p0 $0x88, s6;
	s7 =	simm.s32 @p2 $0x1082  }
0x22: {  	[simem:s7], [sflag:s8] =	dma.local @!p0 [hbm:s6], $0xF7A  }
0x23: {  	s9 =	sor.u32 $0xD0000000, s2;
	s6 =	simm.s32 $0x108;
	_ =	swait.ge @!p0 [sflag:s8], $0x0  }
0x24: {  	s3 =	sadd.s32 $0x88, s3;
	s6 =	simm.s32 @!p1 $0x1082;
	[sflag:s4] =	ssyncset.s32 $0xFFFFF086  }
0x25: {  	[simem:s6], [sflag:s4] =	dma.local [hbm:s3], $0xF7A  }
0x26: {  	[smem:$0x3F9F] =	sst s1;
	(tag) =	ssettag s2;
	_ =	strace s9  }
0x27: {  	s1 =	sld [smem:$0x3FAF]  }
0x28: {  	s2 =	sld [smem:$0x3FB0]  }
0x29: {  	s4 =	sld [smem:$0x3FB2]  }
0x2a: {  	p0 =	seq.s32 s5, $0x0;
	s5 =	sld [smem:$0x3FB3]  }
0x2b: {  	s6 =	sld [smem:$0x3FB4]  }
0x2c: {  	s7 =	sld [smem:$0x3FB5]  }
0x2d: {  	s3 =	simm.s32 $0x108;
	s8 =	sld [smem:$0x3FB6]  }
0x2e: {  	s3 =	simm.s32 @!p0 $0x1082;
	s9 =	sld [smem:$0x3FB7]  }
0x2f: {  	lr =	sadd.s32 s0, s3;
	s0 =	sld [smem:$0x3FAE]  }
0x30: {  	s3 =	sld [smem:$0x3FB1]  }
0x31: {  	[smem:$0x3FBA] =	sst s10  }
0x32: {  	s10 =	sld [smem:$0x3FB8];
	_ =	sdelay $0x3  }
0x33: {  	p0 =	seq.s32 s10, $0x1;
	s10 =	sld [smem:$0x3FBA];
	_ =	sdelay $0x3  }
0x34: {  	[smem:$0x3FBA] =	sst s10  }
0x35: {  	s10 =	sld [smem:$0x3FB9];
	_ =	sdelay $0x3  }
0x36: {  	p1 =	seq.s32 s10, $0x1;
	s10 =	sld [smem:$0x3FBA];
	_ =	sdelay $0x3  }
0x37: {  	[smem:$0x3FBA] =	sst s10  }
0x38: {  	s10 =	sld [smem:$0x3FBB]  }
0x39: {  	_ = 	snop;
	(pc) =	sbr.ind lr, $3  }
0x3a: {  	_ = 	snop  }
0x3b: {  	_ = 	snop  }
0x3c: {  	p2 =	seq.s32 s10, $0x1;
	s10 =	sld [smem:$0x3FBA]  }
0x3d: {  	_ =	shalt  }
0x3e: {  	_ =	shalt  }
0x3f: {  	_ =	shalt  }
0x40: {  	_ =	shalt  }
0x41: {  	_ =	shalt  }
0x42: {  	_ =	shalt  }
0x43: {  	_ =	shalt  }
0x44: {  	_ =	shalt  }
0x45: {  	_ =	shalt  }
0x46: {  	_ =	shalt  }
0x47: {  	_ =	shalt  }
0x48: {  	_ =	shalt  }
0x49: {  	_ =	shalt  }
0x4a: {  	_ =	shalt  }
0x4b: {  	_ =	shalt  }
0x4c: {  	_ =	shalt  }
0x4d: {  	_ =	shalt  }
0x4e: {  	_ =	shalt  }
0x4f: {  	_ =	shalt  }
0x50: {  	_ =	shalt  }
0x51: {  	_ =	shalt  }
0x52: {  	_ =	shalt  }
0x53: {  	_ =	shalt  }
0x54: {  	_ =	shalt  }
0x55: {  	_ =	shalt  }
0x56: {  	_ =	shalt  }
0x57: {  	_ =	shalt  }
0x58: {  	_ =	shalt  }
0x59: {  	_ =	shalt  }
0x5a: {  	_ =	shalt  }
0x5b: {  	_ =	shalt  }
0x5c: {  	_ =	shalt  }
0x5d: {  	_ =	shalt  }
0x5e: {  	_ =	shalt  }
0x5f: {  	_ =	shalt  }
0x60: {  	_ =	shalt  }
0x61: {  	_ =	shalt  }
0x62: {  	_ =	shalt  }
0x63: {  	_ =	shalt  }
0x64: {  	_ =	shalt  }
0x65: {  	_ =	shalt  }
0x66: {  	_ =	shalt  }
0x67: {  	_ =	shalt  }
0x68: {  	_ =	shalt  }
0x69: {  	_ =	shalt  }
0x6a: {  	_ =	shalt  }
0x6b: {  	_ =	shalt  }
0x6c: {  	_ =	shalt  }
0x6d: {  	_ =	shalt  }
0x6e: {  	_ =	shalt  }
0x6f: {  	_ =	shalt  }
0x70: {  	_ =	shalt  }
0x71: {  	_ =	shalt  }
0x72: {  	_ =	shalt  }
0x73: {  	_ =	shalt  }
0x74: {  	_ =	shalt  }
0x75: {  	_ =	shalt  }
0x76: {  	_ =	shalt  }
0x77: {  	_ =	shalt  }
0x78: {  	_ =	shalt  }
0x79: {  	_ =	shalt  }
0x7a: {  	_ =	shalt  }
0x7b: {  	_ =	shalt  }
0x7c: {  	_ =	shalt  }
0x7d: {  	_ =	shalt  }
0x7e: {  	_ =	shalt  }
0x7f: {  	_ =	shalt  }
0x80: {  	_ =	shalt  }
0x81: {  	_ =	shalt  }
0x82: {  	_ =	shalt  }
0x83: {  	_ =	shalt  }
0x84: {  	_ =	shalt  }
0x85: {  	_ =	shalt  }
0x86: {  	_ =	shalt  }
0x87: {  	_ =	shalt  }
.Lfunc_end0:
.L_simem_size_0:
called_computation_lowered:
.L_overlay_start_0:
0x88: {  	s2 =	sld [smem:$0x3FD9]  }
0x89: {  	s3 =	sld [smem:$0x3FFE];
	_ =	sdelay $0x1  }
0x8a: {  	s1 =	srdreg.scid  }
0x8b: {  	s0 =	sand.u32 $0x1, s1  }
0x8c: {  	s17 =	sshll.u32 s0, $0xA;
	s2 =	sadd.s32 s3, s2  }
0x8d: {  	s2 =	sadd.s32 s2, s17  }
0x8e: {  	[smem:$0x3FC6] =	sst s2  }
0x8f: {  	_ = 	snop  }
0x90: {  	s2 =	sld [smem:$0x3FC9]  }
0x91: {  	s18 =	sld [smem:$0x3FD0];
	(tm) =	ssettm $0x1  }
0x92: {  	s4 =	sld [smem:$0x3FFB];
	_ =	sdelay $0x3  }
0x93: {  	_ =	strace s4  }
0x94: {  	s4 =	sld [smem:$0x3FFC];
	_ =	sdelay $0x3  }
0x95: {  	_ =	strace s4  }
0x96: {  	s4 =	sld [smem:$0x3FFD];
	_ =	sdelay $0x3  }
0x97: {  	_ =	strace s4  }
0x98: {  	_ =	strace $0x8FFFFFFF  }
0x99: {  	s19 =	sld [smem:$0x3FDB];
	_ =	sdelay $0x1  }
0x9a: {  	s5 =	simm.s32 $_scs_section_size  }
0x9b: {  	s6 =	simm.s32 $_size__tile_overlayer_lowered;
	s7 =	simm.s32 $_tile_overlayer_lowered  }
0x9c: {  	s22 =	simm.s32 $0x1BFF;
	s21 =	sshll.u32 s7, $0x1;
	s4 =	sadd.s32 s5, s19  }
0x9d: {  	s8 =	simm.s32 $0x0;
	s20 =	sshll.u32 s6, $0x1;
	s6 =	sadd.s32 s21, s4  }
0x9e: {  	[timem:s8], [sflag:s22] =	dma.local [hbm:s6], s20  }
0x9f: {  	_ =	swait.ge [sflag:s22], s20  }
0xa0: {  	s5 =	ssub.s32 $0x0, s20;
	[sflag:s22] =	ssyncset.done $0x0  }
0xa1: {  	[sflag:s22] =	ssyncadd.s32 s5;
	_ =	sdelay $0x1  }
0xa2: {  	s23 =	simm.s32 $0x1B8B  }
0xa3: {  	_ =	swait.ge [sflag:s23], $0x1  }
0xa4: {  	[sflag:s23] =	ssyncset.done $0x0  }
0xa5: {  	s25 =	simm.s32 $0x1B8E;
	s24 =	sld [smem:$0x3FFE];
	[sflag:s23] =	ssyncadd.s32 $0xFFFFFFFF  }
0xa6: {  	s26 =	simm.s32 $execute0_lowered;
	[smem:$0x3FD2] =	sst s25  }
0xa7: {  	s6 =	sshll.u32 s26, $0x1;
	_ =	strace $0x80000046;
	[dreg:$0x1] =	wrdreg $0xFFFFFFFF  }
0xa8: {  	s28 =	simm.s32 $_size_execute0_lowered;
	s4 =	sadd.s32 s4, s6;
	[dreg:$0x0] =	wrdreg $0x0  }
0xa9: {  	s6 =	sshll.u32 s28, $0x1;
	[dreg:$0x2] =	wrdreg s4  }
0xaa: {  	[dreg:$0x3] =	wrdreg s6  }
0xab: {  	[dreg:$0x4] =	wrdreg $0xC0  }
0xac: {  	_ =	task [dreg:s8], $0x5FFFF  }
0xad: {  	[dreg:$0x1] =	wrdreg $0xFFFFFFFF  }
0xae: {  	[dreg:$0x0] =	wrdreg $0x60  }
0xaf: {  	[dreg:$0x2] =	wrdreg s2  }
0xb0: {  	[dreg:$0x3] =	wrdreg s24  }
0xb1: {  	[dreg:$0x4] =	wrdreg s18  }
0xb2: {  	[dreg:$0x5] =	wrdreg $0x1DD000  }
0xb3: {  	[dreg:$0x6] =	wrdreg $0x9  }
0xb4: {  	_ =	task.clear_ibuf [dreg:s8], $0x7FFFF;
	_ =	strace $0x90000046  }
0xb5: {  	s29 =	simm.s32 $0x9;
	_ =	strace $0x80000048  }
0xb6: {  	_ =	swait.ge [sflag:s29], $0x1  }
0xb7: {  	[sflag:s29] =	ssyncadd.s32 $0xFFFFFFFF  }
0xb8: {  	_ =	strace $0x90000048  }
0xb9: {  	_ =	sfence  }
0xba: {  	s30 =	sld [smem:$0x0];
	_ =	sdelay $0x2  }
0xbb: {  	s31 =	sshll.u32 s1, $0xD;
	s1 =	sshrl.u32 s1, $0x2  }
0xbc: {  	s3 =	sand.u32 $0x4000, s31;
	s1 =	sadd.s32 s1, s30  }
0xbd: {  	s0 =	sor.u32 s3, s0;
	s1 =	sshll.u32 s1, $0x11  }
0xbe: {  	s0 =	sor.u32 s1, s0  }
0xbf: {  	s0 =	sadd.s32 $0x8F2B, s0  }
0xc0: {  	[sflag:s0] =	ssyncadd.remote.s32 $0x1  }
0xc1: {  	_ =	sfence.sel $0xFFFF  }
0xc2: {  	[dreg:$0x0] =	wrdreg $0xFFFFFFFF;
	(pc) =	sbr.abs _section_cstart, $3  }
0xc3: {  	[dreg:$0x1] =	wrdreg $0xFFFFFFFF  }
0xc4: {  	_ =	task.clear_ibuf [dreg:s8], $0x2FFFF;
	_ =	strace $0x9FFFFFFF  }
0xc5: {  	(tm) =	ssettm $0x7FFFFFFF  }
tec
execute0_lowered:
.L_overlay_start_1:
0x0: {  	(tag) =	ssettag $0x1  }
0x1: {  	s0 =	rddreg [dreg:$0x0]  }
0x2: {  	s1 =	rddreg [dreg:$0x1];
	s2 =	srdreg.scid  }
0x3: {  	s3 =	rddreg [dreg:$0x2];
	s8 =	stileid.u32;
	s10 =	simm.s32 $0x0  }
0x4: {  	s9 =	simm.s32 $0x3;
	s13 =	simm.s32 $0x7D00;
	s11 =	simm.s32 $0x80  }
0x5: {  	s21 =	simm.s32 $0x1;
	s4 =	sand.u32 $0x1, s2;
	s2 =	rddreg [dreg:$0x3]  }
0x6: {  	s22 =	simm.s32 $0x2;
	s24 =	simm.s32 $0x0;
	[smem:$0x7FF] =	sst s10  }
0x7: {  	s30 =	sshll.u32 s8, $0xD;
	s12 =	sshll.u32 s8, $0x7;
	s5 =	sshll.u32 s4, $0x4  }
0x8: {  	s28 =	ssub.s32 $0x2, s4;
	_ =	strace $0x80000047;
	s7 =	sor.u32 s8, s5  }
0x9: {  	s29 =	sshrl.u32 s28, $0x1;
	s6 =	smul.u32 $0xC80, s7;
	s31 =	sshll.u32 s7, $0xA  }
0xa: {  	v2 =	vlaneseq.u32;
	s4 =	sadd.s32 $0x186E00, s1;
	s1 =	ssub.s32 s28, s29;
	s7 =	sadd.s32 s3, s31  }
0xb: {  	v1 =	vimm.f32 $0.0e+00;
	v2 =	vmul.u32 $0x147B, v2;
	v0 =	vmov s12;
	s8 =	smax.u32 s1, $0x1;
	s5 =	sadd.s32 s0, s6;
	s6 =	sadd.s32 s30, s2  }
.LBB2_1:
0xc: {  	[tilespmem:s10], [sflag:$0x3] =	stream.linear.gather [hbm4b:s5+s10], $0x6400, $0x38;
	[tilespmem:$0x1FD00] =	vst v63  }
0xd: {  	_ =	swait.ge [sflag:s9], $0x6400  }
0xe: {  	[sflag:s9] =	ssyncset.done $0x0  }
0xf: {  	s0 =	simm.s32 $0x0;
	s1 =	simm.s32 $0x100;
	[sflag:s9] =	ssyncadd.s32 $0xFFFF9C00  }
.LBB2_2:
0x10: {  	p0 =	sne.s32 s1, $0x7F00;
	[tilespmem:s0+$0x1BD30] =	vst v1  }
0x11: {  	[tilespmem:s0+$0x7D00] =	vst v1  }
0x12: {  	[tilespmem:s0+$0x1BD00] =	vst v1  }
.Ltmp0:
0x13: {  	[tilespmem:s0+$0x7D10] =	vst v1;
	(pc) =	sbr.rel @p0 .LBB2_2-.Ltmp0, $4  }
0x14: {  	[tilespmem:s0+$0x1BD10] =	vst v1  }
0x15: {  	[tilespmem:s0+$0x7D20] =	vst v1  }
0x16: {  	[tilespmem:s0+$0x1BD20] =	vst v1  }
0x17: {  	[tilespmem:s0+$0x7D30] =	vst v1;
	s0 =	sshra.s32 s1, $0x2;
	s1 =	sadd.s32 $0x100, s1  }
0x18: {  	[tilespmem:s0+$0x1BD30] =	vst v1  }
0x19: {  	[tilespmem:s0+$0x7D00] =	vst v1  }
0x1a: {  	[tilespmem:s0+$0x1BD00] =	vst v1  }
0x1b: {  	[tilespmem:s0+$0x7D10] =	vst v1  }
0x1c: {  	[tilespmem:s0+$0x1BD10] =	vst v1  }
0x1d: {  	[tilespmem:s0+$0x7D20] =	vst v1  }
0x1e: {  	[tilespmem:s0+$0x1BD20] =	vst v1  }
0x1f: {  	[tilespmem:s0+$0x7D30] =	vst v1;
	s0 =	simm.s32 $0x0;
	s1 =	simm.s32 $0x10;
	s12 =	simm.s32 $0x20  }
0x20: {  	[spmem:s6] =	stream.linear.scatter [tilespmem:s13], [sflag:$0x3], $0x2000, $0x38;
	[tilespmem:$0x1FD00] =	vst v63  }
0x21: {  	s30 =	simm.s32 $0x30;
	s31 =	simm.s32 $0x40;
	_ =	swait.ge [sflag:s9], $0x2000  }
0x22: {  	s3 =	simm.s32 $0x50;
	v3 =	vmov s0;
	v4 =	vmov s1;
	v7 =	vmov s12;
	s12 =	simm.s32 $0x60;
	[sflag:s9] =	ssyncset.done $0x0  }
0x23: {  	v5 =	vmov s30;
	v6 =	vmov s31;
	s13 =	simm.s32 $0x70;
	s1 =	simm.s32 $0x200;
	v3 =	vmul.u32 $0x147B, v3;
	[sflag:s9] =	ssyncadd.s32 $0xFFFFE000  }
.LBB2_4:
0x24: {  	p0 =	sne.s32 s1, $0x6200;
	v8 =	vmov s3;
	v9 =	vmov s12;
	v10 =	vmov s13  }
0x25: {  	v4 =	vmul.u32 $0x147B, v4;
	v7 =	vmul.u32 $0x147B, v7;
	v10 =	vmul.u32 $0x147B, v10  }
0x26: {  	v3 =	vbroadcast v3, $0x0;
	v5 =	vmul.u32 $0x147B, v5;
	v6 =	vmul.u32 $0x147B, v6  }
0x27: {  	v8 =	vmul.u32 $0x147B, v8;
	v4 =	vbroadcast v4, $0x0;
	v10 =	vbroadcast v10, $0x0  }
0x28: {  	v9 =	vmul.u32 $0x147B, v9;
	v7 =	vbroadcast v7, $0x0;
	v5 =	vbroadcast v5, $0x0  }
0x29: {  	v6 =	vbroadcast v6, $0x0;
	v8 =	vbroadcast v8, $0x0;
	v10 =	vadd.s32 v2, v10  }
0x2a: {  	v9 =	vbroadcast v9, $0x0;
	v4 =	vadd.s32 v2, v4;
	v10 =	vshra.s32 v10, $0x14  }
0x2b: {  	s14 =	sshra.s32 s0, $0x2;
	s0 =	smov.u32 s1;
	v7 =	vadd.s32 v2, v7;
	v4 =	vshra.s32 v4, $0x14;
	v10 =	vadd.s32 v0, v10  }
0x2c: {  	v5 =	vadd.s32 v2, v5;
	v7 =	vshra.s32 v7, $0x14;
	v4 =	vadd.s32 v0, v4;
	[tilespmem:s14+$0x6470] =	vst v10  }
0x2d: {  	v6 =	vadd.s32 v2, v6;
	v5 =	vshra.s32 v5, $0x14;
	[tilespmem:s14+$0x6410] =	vst v4;
	v4 =	vadd.s32 v0, v7  }
0x2e: {  	[tilespmem:s14+$0x6420] =	vst v4;
	v4 =	vadd.s32 v0, v5;
	v5 =	vshra.s32 v6, $0x14;
	v6 =	vadd.s32 v2, v8  }
.Ltmp1:
0x2f: {  	[tilespmem:s14+$0x6430] =	vst v4;
	v4 =	vadd.s32 v0, v5;
	v5 =	vshra.s32 v6, $0x14;
	v6 =	vadd.s32 v2, v9;
	(pc) =	sbr.rel @p0 .LBB2_4-.Ltmp1, $4  }
0x30: {  	v3 =	vadd.s32 v2, v3;
	[tilespmem:s14+$0x6440] =	vst v4;
	v4 =	vadd.s32 v0, v5;
	v5 =	vshra.s32 v6, $0x14  }
0x31: {  	s3 =	sadd.s32 $0x10, s1;
	s12 =	sadd.s32 $0x20, s1;
	v7 =	vshrl.u32 v3, $0x14;
	v6 =	vmov s1;
	[tilespmem:s14+$0x6450] =	vst v4;
	v5 =	vadd.s32 v0, v5  }
0x32: {  	s13 =	sadd.s32 $0x30, s1;
	s15 =	sadd.s32 $0x40, s1;
	v8 =	vadd.s32 v0, v7;
	v3 =	vmul.u32 $0x147B, v6;
	v4 =	vmov s3;
	s3 =	sadd.s32 $0x50, s1;
	[tilespmem:s14+$0x6460] =	vst v5  }
0x33: {  	v7 =	vmov s12;
	s12 =	sadd.s32 $0x60, s0;
	v6 =	vmov s15;
	s1 =	sadd.s32 $0x200, s1;
	v5 =	vmov s13;
	s13 =	sadd.s32 $0x70, s0;
	[tilespmem:s14+$0x6400] =	vst v8  }
0x34: {  	v8 =	vmov s3;
	v9 =	vmov s12;
	v10 =	vmov s13  }
0x35: {  	v4 =	vmul.u32 $0x147B, v4;
	v7 =	vmul.u32 $0x147B, v7;
	v3 =	vbroadcast v3, $0x0  }
0x36: {  	v5 =	vmul.u32 $0x147B, v5;
	v6 =	vmul.u32 $0x147B, v6;
	v10 =	vmul.u32 $0x147B, v10  }
0x37: {  	v8 =	vmul.u32 $0x147B, v8;
	v4 =	vbroadcast v4, $0x0;
	v7 =	vbroadcast v7, $0x0  }
0x38: {  	v9 =	vmul.u32 $0x147B, v9;
	v5 =	vbroadcast v5, $0x0;
	v6 =	vbroadcast v6, $0x0  }
0x39: {  	v3 =	vadd.s32 v2, v3;
	v10 =	vbroadcast v10, $0x0;
	v8 =	vbroadcast v8, $0x0  }
0x3a: {  	v9 =	vbroadcast v9, $0x0;
	v3 =	vshrl.u32 v3, $0x14;
	v4 =	vadd.s32 v2, v4  }
0x3b: {  	s0 =	sshra.s32 s0, $0x2;
	v7 =	vadd.s32 v2, v7;
	v3 =	vadd.s32 v0, v3;
	v4 =	vshra.s32 v4, $0x14  }
0x3c: {  	v5 =	vadd.s32 v2, v5;
	v7 =	vshra.s32 v7, $0x14;
	[tilespmem:s0+$0x6400] =	vst v3;
	v4 =	vadd.s32 v0, v4  }
0x3d: {  	v6 =	vadd.s32 v2, v6;
	v5 =	vshra.s32 v5, $0x14;
	v54 =	vadd.s32 v0, v7;
	[tilespmem:s0+$0x6410] =	vst v4  }
0x3e: {  	v10 =	vadd.s32 v2, v10;
	v56 =	vshra.s32 v6, $0x14;
	v55 =	vadd.s32 v0, v5;
	[tilespmem:s0+$0x6420] =	vst v54  }
0x3f: {  	v57 =	vadd.s32 v2, v8;
	v10 =	vshra.s32 v10, $0x14;
	v58 =	vadd.s32 v0, v56;
	[tilespmem:s0+$0x6430] =	vst v55  }
0x40: {  	v60 =	vadd.s32 v2, v9;
	v59 =	vshra.s32 v57, $0x14;
	v10 =	vadd.s32 v0, v10;
	[tilespmem:s0+$0x6440] =	vst v58  }
0x41: {  	v62 =	vshra.s32 v60, $0x14;
	v61 =	vadd.s32 v0, v59;
	[tilespmem:s0+$0x6470] =	vst v10  }
0x42: {  	v63 =	vadd.s32 v0, v62;
	[tilespmem:s0+$0x6450] =	vst v61  }
0x43: {  	s25 =	simm.s32 $0x0;
	s26 =	simm.s32 $0x7D00;
	[tilespmem:s0+$0x6460] =	vst v63  }
0x44: {  	[tilespmem:s26], [sflag:$0x1] =	stream.indirect.gather [hbm4b:s4+s11], $0x40, s25, s11, $0xb8;
	[tilespmem:$0x1FD00] =	vst v63  }
0x45: {  	s14 =	simm.s32 $0x9D00;
	s15 =	simm.s32 $0x100;
	s1 =	simm.s32 $0xBD00  }
0x46: {  	[tilespmem:s14], [sflag:$0x1] =	stream.indirect.gather [hbm4b:s4+s11], $0x40, s11, s11, $0xb8;
	[tilespmem:$0x1FD00] =	vst v63  }
0x47: {  	s16 =	simm.s32 $0x180;
	s17 =	simm.s32 $0xDD00;
	s18 =	simm.s32 $0x200  }
0x48: {  	[tilespmem:s1], [sflag:$0x1] =	stream.indirect.gather [hbm4b:s4+s11], $0x40, s15, s11, $0xb8;
	[tilespmem:$0x1FD00] =	vst v63  }
0x49: {  	s19 =	simm.s32 $0xFD00;
	s20 =	simm.s32 $0x280;
	s23 =	simm.s32 $0x11D00  }
0x4a: {  	[tilespmem:s17], [sflag:$0x1] =	stream.indirect.gather [hbm4b:s4+s11], $0x40, s16, s11, $0xb8;
	[tilespmem:$0x1FD00] =	vst v63  }
.Ltmp2:
0x4b: {  	s28 =	simm.s32 $0xFFFFFFC8;
	s29 =	simm.s32 $0x147B00;
	(pc) =	sbr.rel .LBB2_6-.Ltmp2, $4  }
0x4c: {  	s30 =	simm.s32 $0xFFFFFF48;
	s31 =	simm.s32 $0x1EB880;
	s12 =	simm.s32 $0x3  }
0x4d: {  	[tilespmem:s19], [sflag:$0x1] =	stream.indirect.gather [hbm4b:s4+s11], $0x40, s18, s11, $0xb8;
	[tilespmem:$0x1FD00] =	vst v63  }
0x4e: {  	s13 =	simm.s32 $0xDD20;
	s0 =	simm.s32 $0x2;
	s1 =	simm.s32 $0xBD20  }
0x4f: {  	[tilespmem:s23], [sflag:$0x1] =	stream.indirect.gather [hbm4b:s4+s11], $0x40, s20, s11, $0xb8;
	[tilespmem:$0x1FD00] =	vst v63  }
.LBB2_33:
0x50: {  	v9 =	vimm.f32 $0.0e+00  }
0x51: {  	p0 =	por $0x0, $0x0;
	v10 =	vimm.f32 $0.0e+00;
	v8 =	vimm.f32 $0.0e+00;
	v3 =	vimm.f32 $0.0e+00  }
.LBB2_41:
0x52: {  	s3 =	sshll.u32 s15, $0x6  }
0x53: {  	v11 =	vld [tilespmem:s3+$0x1BD00]  }
0x54: {  	v12 =	vld [tilespmem:s3+$0x1BD10]  }
0x55: {  	v13 =	vld [tilespmem:s3+$0x1BD20]  }
0x56: {  	v14 =	vld [tilespmem:s3+$0x1BD30];
	_ =	sdelay $0x1  }
0x57: {  	v7 =	vadd.f32 v11, v7  }
0x58: {  	v6 =	vadd.f32 v12, v6  }
0x59: {  	v5 =	vadd.f32 v13, v5;
	[tilespmem:s3+$0x1BD00] =	vst v7  }
0x5a: {  	v4 =	vadd.f32 v14, v4;
	[tilespmem:s3+$0x1BD10] =	vst v6  }
0x5b: {  	[tilespmem:s3+$0x1BD20] =	vst v5  }
0x5c: {  	[tilespmem:s3+$0x1BD30] =	vst v4;
	s3 =	sshll.u32 @p0 s14, $0x6  }
0x5d: {  	v4 =	vld @p0 [tilespmem:s3+$0x1BD00]  }
0x5e: {  	v5 =	vld @p0 [tilespmem:s3+$0x1BD10]  }
0x5f: {  	v7 =	vld @p0 [tilespmem:s3+$0x1BD30]  }
0x60: {  	v6 =	vld @p0 [tilespmem:s3+$0x1BD20]  }
0x61: {  	s25 =	sadd.s32 $0x1, s25  }
0x62: {  	p1 =	sne.s32 s25, $0x32;
	v4 =	vadd.f32 @p0 v4, v9  }
.Ltmp3:
0x63: {  	v5 =	vadd.f32 @p0 v5, v10;
	(pc) =	sbr.rel @!p1 .LBB2_42-.Ltmp3, $4  }
0x64: {  	v3 =	vadd.f32 @p0 v7, v3;
	[tilespmem:s3+$0x1BD00] =	vst @p0 v4  }
0x65: {  	s28 =	sadd.s32 $0xFFFFFE00, s28;
	s29 =	sadd.s32 $0x28F600, s29;
	s30 =	sadd.s32 $0xFFFFFE00, s30;
	v4 =	vadd.f32 @p0 v6, v8;
	[tilespmem:s3+$0x1BD10] =	vst @p0 v5  }
0x66: {  	s31 =	sadd.s32 $0x28F600, s31;
	s26 =	sadd.s32 $0x8000, s26;
	s0 =	sadd.s32 $0x4, s0;
	[tilespmem:s3+$0x1BD30] =	vst @p0 v3  }
0x67: {  	s1 =	sadd.s32 $0x8000, s1;
	s12 =	sadd.s32 $0x4, s12;
	s13 =	sadd.s32 $0x8000, s13;
	[tilespmem:s3+$0x1BD20] =	vst @p0 v4  }
.LBB2_6:
0x68: {  	s3 =	smul.u32 $0x334, s25;
	_ =	sdelay $0x1  }
0x69: {  	s3 =	sshrl.u32 s3, $0xB  }
0x6a: {  	s3 =	sand.u32 $0x1F, s3  }
0x6b: {  	s3 =	smul.u32 $0xA, s3  }
0x6c: {  	s14 =	sshll.u32 s25, $0x2;
	_ =	swait.ge [sflag:s21], $0x2000  }
0x6d: {  	s15 =	sshll.u32 s25, $0x7;
	p0 =	seq.s32 s25, $0x0;
	s3 =	ssub.s32 s14, s3  }
0x6e: {  	[sflag:s21] =	ssyncset.done $0x0;
	s15 =	sand.u32 $0x3FFFFF80, s15;
	s3 =	sand.u32 $0xFE, s3  }
0x6f: {  	p1 =	seq.s32 @!p0 s25, $0x31;
	[sflag:s21] =	ssyncadd.s32 $0xFFFFE000;
	s3 =	sshll.u32 s3, $0xD  }
0x70: {  	s15 =	sadd.s32 $0x6400, s15;
	p1 =	por p0, !p1;
	s3 =	sadd.s32 $0x7D00, s3  }
0x71: {  	[spmem:s2] =	stream.indirect.scatter.add.f32 [tilespmem:s3], [sflag:$0x2], $0x40, s15, s11, $0xb8;
	[tilespmem:$0x1FD00] =	vst v63  }
.Ltmp4:
0x72: {  	_ = 	snop;
	(pc) =	sbr.rel @p1 .LBB2_8-.Ltmp4, $4  }
0x73: {  	s3 =	simm.s32 @!p0 $0x2  }
0x74: {  	_ =	swait.ge @!p0 [sflag:s3], $0x2000  }
0x75: {  	[sflag:s3] =	ssyncset.done @!p0 $0x0  }
0x76: {  	[sflag:s3] =	ssyncadd.s32 @!p0 $0xFFFFE000  }
.Ltmp5:
0x77: {  	(pc) =	sbr.rel .LBB2_9-.Ltmp5, $2  }
0x78: {  	_ =	sdelay $0x2  }
0x79: {  	s3 =	simm.s32 @!p0 $0xC5;
	s17 =	simm.s32 @!p0 $0xE000  }
.LBB2_8:
0x7a: {  	s3 =	sadd.s32 $0x6, s14  }
0x7b: {  	s15 =	sand.u32 $0xFF, s3  }
0x7c: {  	s15 =	smul.u32 $0xCD, s15;
	_ =	sdelay $0x1  }
0x7d: {  	s15 =	sshrl.u32 s15, $0xB  }
0x7e: {  	s15 =	smul.u32 $0xA, s15  }
0x7f: {  	s19 =	sadd.s32 $0x7, s14  }
0x80: {  	s20 =	sand.u32 $0xFF, s19;
	s15 =	ssub.s32 s3, s15  }
0x81: {  	s16 =	smul.u32 $0xCD, s20;
	s15 =	sand.u32 $0xFF, s15  }
0x82: {  	s3 =	sshll.u32 s3, $0x7;
	s15 =	sshll.u32 s15, $0xD  }
0x83: {  	s16 =	sshrl.u32 s16, $0xB;
	s3 =	sand.u32 $0x3FFFFF80, s3;
	s15 =	sadd.s32 $0x7D00, s15  }
0x84: {  	[tilespmem:s15], [sflag:$0x1] =	stream.indirect.gather [hbm4b:s4+s11], $0x40, s3, s11, $0xb8;
	[tilespmem:$0x1FD00] =	vst v63  }
0x85: {  	s16 =	smul.u32 $0xA, s16;
	s3 =	sor.u32 $0x1, s14  }
0x86: {  	s17 =	smul.u32 $0xCD, s3  }
0x87: {  	s16 =	ssub.s32 s19, s16  }
0x88: {  	s16 =	sand.u32 $0xFF, s16;
	s17 =	sshrl.u32 s17, $0xB  }
0x89: {  	s16 =	sshll.u32 s16, $0xD;
	s15 =	sshll.u32 s19, $0x7;
	s17 =	sand.u32 $0x1F, s17  }
0x8a: {  	s16 =	sadd.s32 $0x7D00, s16;
	s15 =	sand.u32 $0x3FFFFF80, s15;
	s17 =	smul.u32 $0xA, s17  }
0x8b: {  	[tilespmem:s16], [sflag:$0x1] =	stream.indirect.gather [hbm4b:s4+s11], $0x40, s15, s11, $0xb8;
	[tilespmem:$0x1FD00] =	vst v63  }
0x8c: {  	s17 =	ssub.s32 s3, s17  }
0x8d: {  	s23 =	sand.u32 $0xFF, s17  }
0x8e: {  	s17 =	sshll.u32 s23, $0xD  }
.LBB2_9:
0x8f: {  	s15 =	smul.u32 $0xA3D80, s3;
	_ =	sdelay $0x1  }
0x90: {  	s16 =	sshrl.u32 s15, $0x14  }
0x91: {  	s15 =	sadd.s32 $0x1, s16  }
0x92: {  	s18 =	smul.u32 $0xC8, s15  }
0x93: {  	s23 =	sshll.u32 s3, $0x7  }
0x94: {  	s19 =	ssub.s32 s18, s23  }
0x95: {  	p1 =	slt.s32 s19, $0x1  }
.Ltmp6:
0x96: {  	_ = 	snop;
	(pc) =	sbr.rel @p1 .LBB2_14-.Ltmp6, $4  }
0x97: {  	_ = 	snop  }
0x98: {  	_ =	swait.ge [sflag:s21], $0x2000  }
0x99: {  	v4 =	vimm.f32 $0.0e+00;
	v3 =	vimm.f32 $0.0e+00;
	[sflag:s21] =	ssyncset.done $0x0;
	p0 =	slt.s32 s19, $0x80;
	s18 =	smov.u32 s19  }
0x9a: {  	v5 =	vimm.f32 $0.0e+00;
	v6 =	vimm.f32 $0.0e+00;
	v7 =	vimm.f32 $0.0e+00;
	[sflag:s21] =	ssyncadd.s32 $0xFFFFE000;
	s18 =	simm.s32 @!p0 $0x80  }
0x9b: {  	s3 =	sadd.s32 $0x7D20, s17  }
0x9c: {  	p0 =	seq.s32 s18, $0x1;
	v3 =	vld [tilespmem:s3+$0x10]  }
.Ltmp7:
0x9d: {  	v6 =	vld [tilespmem:s3+$0xFFFFFFF0];
	(pc) =	sbr.rel @p0 .LBB2_12-.Ltmp7, $4  }
0x9e: {  	v7 =	vld [tilespmem:s3+$0x0]  }
0x9f: {  	v8 =	vld [tilespmem:s3+$0xFFFFFFE0]  }
0xa0: {  	v5 =	vimm.f32 $0.0e+00  }
0xa1: {  	s20 =	sadd.s32 $0xFFFFFFFF, s18;
	v9 =	vimm.f32 $0.0e+00;
	v10 =	vimm.f32 $0.0e+00;
	s3 =	sadd.s32 $0x40, s3;
	v3 =	vadd.f32 v3, v5  }
.LBB2_11:
0xa2: {  	v11 =	vld [tilespmem:s3+$0x10];
	p0 =	seq.s32 s20, $0x1;
	s20 =	sadd.s32 $0xFFFFFFFF, s20;
	v5 =	vadd.f32 v6, v5  }
.Ltmp8:
0xa3: {  	v6 =	vld [tilespmem:s3+$0xFFFFFFF0];
	v9 =	vadd.f32 v7, v9;
	(pc) =	sbr.rel @!p0 .LBB2_11-.Ltmp8, $3  }
0xa4: {  	v7 =	vld [tilespmem:s3+$0x0];
	v10 =	vadd.f32 v8, v10  }
0xa5: {  	v8 =	vld [tilespmem:s3+$0xFFFFFFE0];
	_ =	sdelay $0x1  }
0xa6: {  	s3 =	sadd.s32 $0x40, s3;
	v3 =	vadd.f32 v11, v3  }
.LBB2_12:
0xa7: {  	p0 =	sgt.u32 s19, $0x7F  }
.Ltmp9:
0xa8: {  	_ = 	snop;
	(pc) =	sbr.rel @p0 .LBB2_13-.Ltmp9, $3  }
0xa9: {  	_ =	sdelay $0x1  }
0xaa: {  	v6 =	vadd.f32 v6, v5  }
0xab: {  	v5 =	vadd.f32 v7, v9;
	v7 =	vadd.f32 v8, v10  }
.LBB2_14:
0xac: {  	s3 =	sshll.u32 s18, $0x8;
	s17 =	sshll.u32 s17, $0x2  }
0xad: {  	s3 =	sadd.s32 s17, s3  }
0xae: {  	s3 =	sshra.s32 s3, $0x2  }
0xaf: {  	s23 =	ssub.s32 $0x80, s18;
	s3 =	sadd.s32 $0x7D20, s3  }
0xb0: {  	p0 =	sne.s32 s23, $0x1;
	v8 =	vld [tilespmem:s3+$0x10]  }
.Ltmp10:
0xb1: {  	v9 =	vld [tilespmem:s3+$0xFFFFFFF0];
	(pc) =	sbr.rel @!p0 .LBB2_16-.Ltmp10, $3  }
0xb2: {  	v10 =	vld [tilespmem:s3+$0x0]  }
0xb3: {  	v11 =	vld [tilespmem:s3+$0xFFFFFFE0];
	_ =	sdelay $0x1  }
0xb4: {  	v12 =	vimm.f32 $0.0e+00;
	v13 =	vimm.f32 $0.0e+00;
	s17 =	sadd.s32 $0xFFFFFFFF, s23;
	s3 =	sadd.s32 $0x40, s3;
	v8 =	vadd.f32 v8, v4  }
.LBB2_15:
0xb5: {  	v14 =	vld [tilespmem:s3+$0x10];
	p0 =	sne.s32 s17, $0x1;
	s17 =	sadd.s32 $0xFFFFFFFF, s17;
	v4 =	vadd.f32 v9, v4  }
.Ltmp11:
0xb6: {  	v9 =	vld [tilespmem:s3+$0xFFFFFFF0];
	v12 =	vadd.f32 v10, v12;
	(pc) =	sbr.rel @p0 .LBB2_15-.Ltmp11, $3  }
0xb7: {  	v10 =	vld [tilespmem:s3+$0x0];
	v13 =	vadd.f32 v11, v13  }
0xb8: {  	v11 =	vld [tilespmem:s3+$0xFFFFFFE0];
	_ =	sdelay $0x1  }
0xb9: {  	s3 =	sadd.s32 $0x40, s3;
	v8 =	vadd.f32 v14, v8  }
.LBB2_16:
.Ltmp12:
0xba: {  	(pc) =	sbr.rel .LBB2_17-.Ltmp12, $3  }
0xbb: {  	_ =	sdelay $0x1  }
0xbc: {  	v4 =	vadd.f32 v9, v4  }
0xbd: {  	p1 =	por $0x1, $0x1;
	v9 =	vadd.f32 v10, v12;
	v10 =	vadd.f32 v11, v13  }
.LBB2_13:
0xbe: {  	v10 =	vimm.f32 $0.0e+00  }
0xbf: {  	p1 =	por $0x0, $0x0;
	v4 =	vimm.f32 $0.0e+00;
	v9 =	vimm.f32 $0.0e+00;
	v8 =	vimm.f32 $0.0e+00  }
.LBB2_17:
0xc0: {  	s3 =	sshll.u32 s16, $0x6  }
0xc1: {  	v11 =	vld [tilespmem:s3+$0x1BD00]  }
0xc2: {  	v12 =	vld [tilespmem:s3+$0x1BD10]  }
0xc3: {  	v13 =	vld [tilespmem:s3+$0x1BD20]  }
0xc4: {  	v14 =	vld [tilespmem:s3+$0x1BD30];
	_ =	sdelay $0x1  }
0xc5: {  	v7 =	vadd.f32 v11, v7  }
0xc6: {  	v6 =	vadd.f32 v12, v6  }
0xc7: {  	v5 =	vadd.f32 v13, v5;
	[tilespmem:s3+$0x1BD00] =	vst v7  }
0xc8: {  	v3 =	vadd.f32 v14, v3;
	[tilespmem:s3+$0x1BD10] =	vst v6  }
0xc9: {  	[tilespmem:s3+$0x1BD20] =	vst v5  }
0xca: {  	[tilespmem:s3+$0x1BD30] =	vst v3;
	s3 =	sshll.u32 @p1 s15, $0x6  }
0xcb: {  	v3 =	vld @p1 [tilespmem:s3+$0x1BD00]  }
0xcc: {  	p0 =	sgt.u32 s25, $0x2F;
	v5 =	vld @p1 [tilespmem:s3+$0x1BD10]  }
0xcd: {  	s15 =	sadd.s32 @!p0 $0x8, s14;
	v6 =	vld @p1 [tilespmem:s3+$0x1BD20]  }
0xce: {  	s16 =	smulhi.u32 @!p0 $0x66666667, s15;
	v7 =	vld @p1 [tilespmem:s3+$0x1BD30];
	_ =	sdelay $0x1  }
0xcf: {  	s16 =	sshrl.u32 @!p0 s16, $0x2;
	v3 =	vadd.f32 @p1 v3, v10  }
0xd0: {  	s16 =	smul.u32 @!p0 $0xA, s16;
	v4 =	vadd.f32 @p1 v5, v4  }
0xd1: {  	[tilespmem:s3+$0x1BD00] =	vst @p1 v3;
	v3 =	vadd.f32 @p1 v6, v9  }
0xd2: {  	s17 =	sor.u32 $0x2, s14;
	s16 =	ssub.s32 @!p0 s15, s16;
	[tilespmem:s3+$0x1BD10] =	vst @p1 v4;
	v4 =	vadd.f32 @p1 v7, v8  }
0xd3: {  	s18 =	smul.u32 $0xA3D80, s17;
	s15 =	sshll.u32 @!p0 s15, $0x7;
	s16 =	sshll.u32 @!p0 s16, $0xD;
	[tilespmem:s3+$0x1BD20] =	vst @p1 v3  }
0xd4: {  	s16 =	sadd.s32 @!p0 $0x7D00, s16;
	[tilespmem:s3+$0x1BD30] =	vst @p1 v4;
	s3 =	sand.u32 @!p0 $0x3FFFFF80, s15;
	s15 =	simm.s32 @!p0 $0x80  }
0xd5: {  	[tilespmem:s16], [sflag:$0x1] =	stream.indirect.gather @!p0 [hbm4b:s4+s15], $0x40, s3, s15, $0xb8;
	[tilespmem:$0x1FD00] =	vst v63  }
0xd6: {  	s16 =	sshrl.u32 s18, $0x14  }
0xd7: {  	s15 =	sadd.s32 $0x1, s16  }
0xd8: {  	s23 =	smul.u32 $0xC8, s15  }
0xd9: {  	s17 =	sshll.u32 s17, $0x7  }
0xda: {  	s19 =	ssub.s32 s23, s17  }
0xdb: {  	p1 =	sgt.s32 s19, $0x0  }
.Ltmp13:
0xdc: {  	s20 =	sshrl.u32 s29, $0x14;
	(pc) =	sbr.rel @!p1 .LBB2_26-.Ltmp13, $4  }
0xdd: {  	s3 =	smul.u32 $0xC8, s20  }
0xde: {  	s20 =	smulhi.u32 $0xCCCCCCCD, s0;
	_ =	swait.ge [sflag:s21], $0x2000  }
0xdf: {  	v5 =	vimm.f32 $0.0e+00;
	v6 =	vimm.f32 $0.0e+00;
	[sflag:s21] =	ssyncset.done $0x0  }
0xe0: {  	v7 =	vimm.f32 $0.0e+00;
	v3 =	vimm.f32 $0.0e+00;
	v4 =	vimm.f32 $0.0e+00;
	s18 =	sshrl.u32 s20, $0x3;
	[sflag:s21] =	ssyncadd.s32 $0xFFFFE000;
	s17 =	sadd.s32 s3, s28  }
0xe1: {  	p1 =	sgt.s32 s17, $0x1;
	s20 =	smov.u32 s17  }
0xe2: {  	s20 =	simm.s32 @!p1 $0x1  }
0xe3: {  	s3 =	smul.u32 $0xFFFB0000, s18;
	s20 =	smin.u32 s20, $0x80  }
0xe4: {  	s23 =	sshll.u32 s20, $0x8  }
0xe5: {  	s3 =	sshra.s32 s3, $0x2;
	p2 =	seq.s32 s23, $0x100  }
.Ltmp14:
0xe6: {  	s3 =	sadd.s32 s3, s26;
	(pc) =	sbr.rel @p2 .LBB2_19-.Ltmp14, $2  }
0xe7: {  	v4 =	vmov s3;
	_ =	sdelay $0x2  }
0xe8: {  	p1 =	por $0x0, $0x0;
	s20 =	simm.s32 $0x0  }
0xe9: {  	_ =	sdelay $0x1  }
0xea: {  	p2 =	seq.s32 s23, $0x200  }
.Ltmp15:
0xeb: {  	_ = 	snop;
	(pc) =	sbr.rel @p2 .LBB2_23-.Ltmp15, $4  }
0xec: {  	v5 =	vld.idx.msk [tilespmem:v4+s20+$0x4030 ss:$0x1], $0xffff  }
0xed: {  	v6 =	vld.idx.msk [tilespmem:v4+s20+$0x4020 ss:$0x1], $0xffff  }
0xee: {  	v7 =	vld.idx.msk [tilespmem:v4+s20+$0x4010 ss:$0x1], $0xffff;
	v8 =	vimm.f32 $0.0e+00  }
0xef: {  	v9 =	vld.idx.msk [tilespmem:v4+s20+$0x4000 ss:$0x1], $0xffff;
	s3 =	simm.s32 $0x200;
	s20 =	simm.s32 $0x40;
	p1 =	por $0x1, $0x1;
	v10 =	vimm.f32 $0.0e+00;
	v11 =	vimm.f32 $0.0e+00;
	v12 =	vimm.f32 $0.0e+00  }
.LBB2_24:
0xf0: {  	s10 =	smov.u32 s3;
	s3 =	sadd.s32 $0x100, s3  }
0xf1: {  	v8 =	vadd.f32 v5, v8;
	v5 =	vld.idx.msk [tilespmem:v4+s20+$0x4030 ss:$0x1], $0xffff;
	p2 =	seq.s32 s23, s3  }
.Ltmp16:
0xf2: {  	v10 =	vadd.f32 v6, v10;
	v6 =	vld.idx.msk [tilespmem:v4+s20+$0x4020 ss:$0x1], $0xffff;
	(pc) =	sbr.rel @!p2 .LBB2_24-.Ltmp16, $3  }
0xf3: {  	v11 =	vadd.f32 v7, v11;
	v7 =	vld.idx.msk [tilespmem:v4+s20+$0x4010 ss:$0x1], $0xffff  }
0xf4: {  	v12 =	vadd.f32 v9, v12;
	v9 =	vld.idx.msk [tilespmem:v4+s20+$0x4000 ss:$0x1], $0xffff;
	_ =	sdelay $0x1  }
0xf5: {  	s20 =	sshra.s32 s10, $0x2  }
.LBB2_25:
0xf6: {  	_ =	sdelay $0x3  }
0xf7: {  	v13 =	vld.idx.msk [tilespmem:v4+s20+$0x4030 ss:$0x1], $0xffff  }
0xf8: {  	v14 =	vld.idx.msk [tilespmem:v4+s20+$0x4020 ss:$0x1], $0xffff  }
0xf9: {  	v15 =	vld.idx.msk [tilespmem:v4+s20+$0x4010 ss:$0x1], $0xffff  }
0xfa: {  	v5 =	vadd.f32 @p1 v5, v8;
	v8 =	vld.idx.msk [tilespmem:v4+s20+$0x4000 ss:$0x1], $0xffff  }
0xfb: {  	v4 =	vadd.f32 @p1 v6, v10;
	v6 =	vadd.f32 @p1 v7, v11  }
0xfc: {  	v7 =	vadd.f32 @p1 v9, v12  }
0xfd: {  	v5 =	vpsel p1, v5, v3;
	v63 =	vpsel p1, v4, v3;
	v6 =	vpsel p1, v6, v3  }
0xfe: {  	v7 =	vpsel p1, v7, v3;
	v4 =	vadd.f32 v13, v5;
	v5 =	vadd.f32 v14, v63  }
0xff: {  	v6 =	vadd.f32 v15, v6;
	v7 =	vadd.f32 v8, v7  }
0x100: {  	p1 =	sgt.u32 s19, $0x7F  }
.Ltmp17:
0x101: {  	_ = 	snop;
	(pc) =	sbr.rel @p1 .LBB2_21-.Ltmp17, $1  }
0x102: {  	_ =	sdelay $0x3  }
.LBB2_26:
0x103: {  	p1 =	slt.s32 s17, $0x80  }
0x104: {  	s3 =	smul.u32 $0x50000, s18;
	s17 =	simm.s32 @!p1 $0x80  }
0x105: {  	s23 =	sshll.u32 s17, $0x8  }
0x106: {  	s3 =	ssub.s32 s23, s3  }
0x107: {  	s17 =	sadd.s32 $0xFFFFFFFF, s17;
	s3 =	sshra.s32 s3, $0x2  }
0x108: {  	s17 =	sadd.s32 $0x1, s17;
	s3 =	sadd.s32 s3, s1  }
0x109: {  	p1 =	slt.s32 s17, $0x7F;
	v8 =	vld [tilespmem:s3+$0x0]  }
.Ltmp18:
0x10a: {  	_ = 	snop;
	(pc) =	sbr.rel @!p1 .LBB2_28-.Ltmp18, $4  }
0x10b: {  	v9 =	vld [tilespmem:s3+$0xFFFFFFE0]  }
0x10c: {  	v10 =	vld [tilespmem:s3+$0xFFFFFFF0]  }
0x10d: {  	v11 =	vld [tilespmem:s3+$0x10]  }
0x10e: {  	v12 =	vimm.f32 $0.0e+00;
	v13 =	vimm.f32 $0.0e+00;
	s3 =	sadd.s32 $0x40, s3;
	v8 =	vadd.f32 v8, v3  }
.LBB2_27:
0x10f: {  	s17 =	sadd.s32 $0x1, s17  }
0x110: {  	v14 =	vld [tilespmem:s3+$0x0];
	v3 =	vadd.f32 v9, v3;
	p1 =	slt.s32 s17, $0x7F  }
.Ltmp19:
0x111: {  	v9 =	vld [tilespmem:s3+$0xFFFFFFE0];
	v12 =	vadd.f32 v10, v12;
	(pc) =	sbr.rel @p1 .LBB2_27-.Ltmp19, $3  }
0x112: {  	v10 =	vld [tilespmem:s3+$0xFFFFFFF0];
	v13 =	vadd.f32 v11, v13  }
0x113: {  	v11 =	vld [tilespmem:s3+$0x10];
	_ =	sdelay $0x1  }
0x114: {  	s3 =	sadd.s32 $0x40, s3;
	v8 =	vadd.f32 v14, v8  }
.LBB2_28:
.Ltmp20:
0x115: {  	(pc) =	sbr.rel .LBB2_29-.Ltmp20, $3  }
0x116: {  	_ =	sdelay $0x1  }
0x117: {  	v9 =	vadd.f32 v9, v3  }
0x118: {  	p1 =	por $0x1, $0x1;
	v10 =	vadd.f32 v10, v12;
	v3 =	vadd.f32 v11, v13  }
.LBB2_21:
0x119: {  	v9 =	vimm.f32 $0.0e+00  }
0x11a: {  	p1 =	por $0x0, $0x0;
	v10 =	vimm.f32 $0.0e+00;
	v8 =	vimm.f32 $0.0e+00;
	v3 =	vimm.f32 $0.0e+00  }
.LBB2_29:
0x11b: {  	s3 =	sshll.u32 s16, $0x6  }
0x11c: {  	v11 =	vld [tilespmem:s3+$0x1BD00]  }
0x11d: {  	v12 =	vld [tilespmem:s3+$0x1BD10]  }
0x11e: {  	v13 =	vld [tilespmem:s3+$0x1BD20]  }
0x11f: {  	v14 =	vld [tilespmem:s3+$0x1BD30];
	_ =	sdelay $0x1  }
0x120: {  	v7 =	vadd.f32 v11, v7  }
0x121: {  	v6 =	vadd.f32 v12, v6  }
0x122: {  	v5 =	vadd.f32 v13, v5;
	[tilespmem:s3+$0x1BD00] =	vst v7  }
0x123: {  	v4 =	vadd.f32 v14, v4;
	[tilespmem:s3+$0x1BD10] =	vst v6  }
0x124: {  	[tilespmem:s3+$0x1BD20] =	vst v5  }
0x125: {  	[tilespmem:s3+$0x1BD30] =	vst v4;
	s3 =	sshll.u32 @p1 s15, $0x6  }
0x126: {  	v4 =	vld @p1 [tilespmem:s3+$0x1BD00]  }
0x127: {  	s10 =	sadd.s32 @!p0 $0x9, s14;
	v5 =	vld @p1 [tilespmem:s3+$0x1BD10]  }
0x128: {  	s15 =	smulhi.u32 @!p0 $0x66666667, s10;
	v7 =	vld @p1 [tilespmem:s3+$0x1BD30]  }
0x129: {  	v6 =	vld @p1 [tilespmem:s3+$0x1BD20]  }
0x12a: {  	s15 =	sshrl.u32 @!p0 s15, $0x2  }
0x12b: {  	s15 =	smul.u32 @!p0 $0xA, s15;
	v4 =	vadd.f32 @p1 v4, v9  }
0x12c: {  	v5 =	vadd.f32 @p1 v5, v10  }
0x12d: {  	s18 =	sor.u32 $0x3, s14;
	s15 =	ssub.s32 @!p0 s10, s15;
	v3 =	vadd.f32 @p1 v7, v3;
	[tilespmem:s3+$0x1BD00] =	vst @p1 v4  }
0x12e: {  	s19 =	smul.u32 $0xA3D80, s18;
	s15 =	sshll.u32 @!p0 s15, $0xD;
	v4 =	vadd.f32 @p1 v6, v8;
	[tilespmem:s3+$0x1BD10] =	vst @p1 v5  }
0x12f: {  	s10 =	sshll.u32 @!p0 s10, $0x7;
	s14 =	sadd.s32 @!p0 $0x7D00, s15;
	[tilespmem:s3+$0x1BD30] =	vst @p1 v3  }
0x130: {  	s15 =	sshrl.u32 s19, $0x14;
	[tilespmem:s3+$0x1BD20] =	vst @p1 v4;
	s3 =	sand.u32 @!p0 $0x3FFFFF80, s10;
	s10 =	simm.s32 @!p0 $0x80  }
0x131: {  	[tilespmem:s14], [sflag:$0x1] =	stream.indirect.gather @!p0 [hbm4b:s4+s10], $0x40, s3, s10, $0xb8;
	[tilespmem:$0x1FD00] =	vst v63  }
0x132: {  	s14 =	sadd.s32 $0x1, s15  }
0x133: {  	s23 =	smul.u32 $0xC8, s14  }
0x134: {  	s16 =	sshll.u32 s18, $0x7  }
0x135: {  	s18 =	ssub.s32 s23, s16  }
0x136: {  	p0 =	sgt.s32 s18, $0x0  }
.Ltmp21:
0x137: {  	_ = 	snop;
	(pc) =	sbr.rel @!p0 .LBB2_38-.Ltmp21, $4  }
0x138: {  	s20 =	sshrl.u32 s31, $0x14;
	s17 =	smulhi.u32 $0xCCCCCCCD, s12  }
0x139: {  	s3 =	smul.u32 $0xC8, s20;
	_ =	swait.ge [sflag:s21], $0x2000  }
0x13a: {  	v7 =	vimm.f32 $0.0e+00;
	v3 =	vimm.f32 $0.0e+00;
	[sflag:s21] =	ssyncset.done $0x0  }
0x13b: {  	s17 =	sshrl.u32 s17, $0x3;
	v5 =	vimm.f32 $0.0e+00;
	v6 =	vimm.f32 $0.0e+00;
	v4 =	vimm.f32 $0.0e+00;
	s16 =	sadd.s32 s3, s30;
	[sflag:s21] =	ssyncadd.s32 $0xFFFFE000  }
0x13c: {  	p0 =	sgt.s32 s16, $0x1;
	s10 =	smov.u32 s16  }
0x13d: {  	s10 =	simm.s32 @!p0 $0x1  }
0x13e: {  	s3 =	smul.u32 $0xFFFB0000, s17;
	s10 =	smin.u32 s10, $0x80  }
0x13f: {  	s20 =	sshll.u32 s10, $0x8  }
0x140: {  	s3 =	sshra.s32 s3, $0x2;
	p1 =	seq.s32 s20, $0x100  }
.Ltmp22:
0x141: {  	s3 =	sadd.s32 s3, s26;
	(pc) =	sbr.rel @p1 .LBB2_31-.Ltmp22, $2  }
0x142: {  	v4 =	vmov s3;
	_ =	sdelay $0x2  }
0x143: {  	s19 =	simm.s32 $0x0;
	p0 =	por $0x0, $0x0  }
0x144: {  	_ =	sdelay $0x1  }
0x145: {  	p1 =	seq.s32 s20, $0x200  }
.Ltmp23:
0x146: {  	_ = 	snop;
	(pc) =	sbr.rel @p1 .LBB2_35-.Ltmp23, $4  }
0x147: {  	v5 =	vld.idx.msk [tilespmem:v4+s19+$0x6030 ss:$0x1], $0xffff  }
0x148: {  	v6 =	vld.idx.msk [tilespmem:v4+s19+$0x6020 ss:$0x1], $0xffff  }
0x149: {  	v7 =	vld.idx.msk [tilespmem:v4+s19+$0x6010 ss:$0x1], $0xffff;
	v8 =	vimm.f32 $0.0e+00  }
0x14a: {  	v9 =	vld.idx.msk [tilespmem:v4+s19+$0x6000 ss:$0x1], $0xffff;
	s3 =	simm.s32 $0x200;
	s19 =	simm.s32 $0x40;
	p0 =	por $0x1, $0x1;
	v10 =	vimm.f32 $0.0e+00;
	v11 =	vimm.f32 $0.0e+00;
	v12 =	vimm.f32 $0.0e+00  }
.LBB2_36:
0x14b: {  	s10 =	smov.u32 s3;
	s3 =	sadd.s32 $0x100, s3  }
0x14c: {  	v8 =	vadd.f32 v5, v8;
	v5 =	vld.idx.msk [tilespmem:v4+s19+$0x6030 ss:$0x1], $0xffff;
	p1 =	seq.s32 s20, s3  }
.Ltmp24:
0x14d: {  	v10 =	vadd.f32 v6, v10;
	v6 =	vld.idx.msk [tilespmem:v4+s19+$0x6020 ss:$0x1], $0xffff;
	(pc) =	sbr.rel @!p1 .LBB2_36-.Ltmp24, $3  }
0x14e: {  	v11 =	vadd.f32 v7, v11;
	v7 =	vld.idx.msk [tilespmem:v4+s19+$0x6010 ss:$0x1], $0xffff  }
0x14f: {  	v12 =	vadd.f32 v9, v12;
	v9 =	vld.idx.msk [tilespmem:v4+s19+$0x6000 ss:$0x1], $0xffff;
	_ =	sdelay $0x1  }
0x150: {  	s19 =	sshra.s32 s10, $0x2  }
.LBB2_37:
0x151: {  	_ =	sdelay $0x3  }
0x152: {  	v13 =	vld.idx.msk [tilespmem:v4+s19+$0x6030 ss:$0x1], $0xffff  }
0x153: {  	v14 =	vld.idx.msk [tilespmem:v4+s19+$0x6020 ss:$0x1], $0xffff  }
0x154: {  	v15 =	vld.idx.msk [tilespmem:v4+s19+$0x6010 ss:$0x1], $0xffff  }
0x155: {  	v5 =	vadd.f32 @p0 v5, v8;
	v8 =	vld.idx.msk [tilespmem:v4+s19+$0x6000 ss:$0x1], $0xffff  }
0x156: {  	v4 =	vadd.f32 @p0 v6, v10;
	v6 =	vadd.f32 @p0 v7, v11  }
0x157: {  	v7 =	vadd.f32 @p0 v9, v12  }
0x158: {  	v5 =	vpsel p0, v5, v3;
	v63 =	vpsel p0, v4, v3;
	v6 =	vpsel p0, v6, v3  }
0x159: {  	v7 =	vpsel p0, v7, v3;
	v4 =	vadd.f32 v13, v5;
	v5 =	vadd.f32 v14, v63  }
0x15a: {  	v6 =	vadd.f32 v15, v6;
	v7 =	vadd.f32 v8, v7  }
0x15b: {  	p0 =	sgt.u32 s18, $0x7F  }
.Ltmp25:
0x15c: {  	_ = 	snop;
	(pc) =	sbr.rel @p0 .LBB2_33-.Ltmp25, $1  }
0x15d: {  	_ =	sdelay $0x3  }
.LBB2_38:
0x15e: {  	p0 =	slt.s32 s16, $0x80  }
0x15f: {  	s3 =	smul.u32 $0x50000, s17;
	s16 =	simm.s32 @!p0 $0x80  }
0x160: {  	s10 =	sshll.u32 s16, $0x8  }
0x161: {  	s3 =	ssub.s32 s10, s3  }
0x162: {  	s16 =	sadd.s32 $0xFFFFFFFF, s16;
	s3 =	sshra.s32 s3, $0x2  }
0x163: {  	s16 =	sadd.s32 $0x1, s16;
	s3 =	sadd.s32 s3, s13  }
0x164: {  	p0 =	slt.s32 s16, $0x7F;
	v8 =	vld [tilespmem:s3+$0x0]  }
.Ltmp26:
0x165: {  	_ = 	snop;
	(pc) =	sbr.rel @!p0 .LBB2_40-.Ltmp26, $4  }
0x166: {  	v9 =	vld [tilespmem:s3+$0xFFFFFFE0]  }
0x167: {  	v10 =	vld [tilespmem:s3+$0xFFFFFFF0]  }
0x168: {  	v11 =	vld [tilespmem:s3+$0x10]  }
0x169: {  	v12 =	vimm.f32 $0.0e+00;
	v13 =	vimm.f32 $0.0e+00;
	s3 =	sadd.s32 $0x40, s3;
	v8 =	vadd.f32 v8, v3  }
.LBB2_39:
0x16a: {  	s16 =	sadd.s32 $0x1, s16  }
0x16b: {  	v14 =	vld [tilespmem:s3+$0x0];
	v3 =	vadd.f32 v9, v3;
	p0 =	slt.s32 s16, $0x7F  }
.Ltmp27:
0x16c: {  	v9 =	vld [tilespmem:s3+$0xFFFFFFE0];
	v12 =	vadd.f32 v10, v12;
	(pc) =	sbr.rel @p0 .LBB2_39-.Ltmp27, $3  }
0x16d: {  	v10 =	vld [tilespmem:s3+$0xFFFFFFF0];
	v13 =	vadd.f32 v11, v13  }
0x16e: {  	v11 =	vld [tilespmem:s3+$0x10];
	_ =	sdelay $0x1  }
0x16f: {  	s3 =	sadd.s32 $0x40, s3;
	v8 =	vadd.f32 v14, v8  }
.LBB2_40:
.Ltmp28:
0x170: {  	(pc) =	sbr.rel .LBB2_41-.Ltmp28, $3  }
0x171: {  	_ =	sdelay $0x1  }
0x172: {  	v9 =	vadd.f32 v9, v3  }
0x173: {  	p0 =	por $0x1, $0x1;
	v10 =	vadd.f32 v10, v12;
	v3 =	vadd.f32 v11, v13  }
.LBB2_19:
.Ltmp29:
0x174: {  	(pc) =	sbr.rel .LBB2_25-.Ltmp29, $3  }
0x175: {  	_ =	sdelay $0x1  }
0x176: {  	v8 =	vimm.f32 $0.0e+00  }
0x177: {  	v10 =	vimm.f32 $0.0e+00;
	v11 =	vimm.f32 $0.0e+00;
	v12 =	vimm.f32 $0.0e+00  }
.LBB2_31:
.Ltmp30:
0x178: {  	(pc) =	sbr.rel .LBB2_37-.Ltmp30, $3  }
0x179: {  	_ =	sdelay $0x1  }
0x17a: {  	v8 =	vimm.f32 $0.0e+00  }
0x17b: {  	v10 =	vimm.f32 $0.0e+00;
	v11 =	vimm.f32 $0.0e+00;
	v12 =	vimm.f32 $0.0e+00  }
.LBB2_23:
.Ltmp31:
0x17c: {  	(pc) =	sbr.rel .LBB2_25-.Ltmp31, $3  }
0x17d: {  	_ =	sdelay $0x1  }
0x17e: {  	v8 =	vimm.f32 $0.0e+00  }
0x17f: {  	v10 =	vimm.f32 $0.0e+00;
	v11 =	vimm.f32 $0.0e+00;
	v12 =	vimm.f32 $0.0e+00  }
.LBB2_35:
.Ltmp32:
0x180: {  	(pc) =	sbr.rel .LBB2_37-.Ltmp32, $3  }
0x181: {  	_ =	sdelay $0x1  }
0x182: {  	v8 =	vimm.f32 $0.0e+00  }
0x183: {  	v10 =	vimm.f32 $0.0e+00;
	v11 =	vimm.f32 $0.0e+00;
	v12 =	vimm.f32 $0.0e+00  }
.LBB2_42:
0x184: {  	_ =	swait.ge [sflag:s22], $0x2000  }
0x185: {  	[sflag:s22] =	ssyncset.done $0x0  }
0x186: {  	s13 =	simm.s32 $0x7D00;
	[sflag:s22] =	ssyncadd.s32 $0xFFFFE000  }
0x187: {  	[tilespmem:s13], [sflag:$0x3] =	stream.linear.gather [spmem:s6], $0x2000, $0x38;
	[tilespmem:$0x1FD00] =	vst v63  }
0x188: {  	_ =	swait.ge [sflag:s9], $0x2000  }
0x189: {  	[sflag:s9] =	ssyncset.done $0x0  }
0x18a: {  	s0 =	simm.s32 $0x0;
	[sflag:s9] =	ssyncadd.s32 $0xFFFFE000  }
0x18b: {  	v8 =	vld [tilespmem:s0+$0x7D00]  }
0x18c: {  	v9 =	vld [tilespmem:s0+$0x7D10]  }
0x18d: {  	v4 =	vld [tilespmem:s0+$0x7D20]  }
0x18e: {  	v3 =	vld [tilespmem:s0+$0x7D30]  }
0x18f: {  	v5 =	vld [tilespmem:s0+$0x1BD00]  }
0x190: {  	v7 =	vld [tilespmem:s0+$0x1BD10]  }
0x191: {  	s1 =	simm.s32 $0x100;
	v6 =	vld [tilespmem:s0+$0x1BD20]  }
.LBB2_43:
0x192: {  	s3 =	sshra.s32 s1, $0x2;
	p0 =	sne.s32 s1, $0x7F00;
	v10 =	vld [tilespmem:s0+$0x1BD30];
	v11 =	vmov v4  }
0x193: {  	v12 =	vld [tilespmem:s3+$0x7D00];
	v13 =	vmov v3  }
0x194: {  	v14 =	vld [tilespmem:s3+$0x7D10];
	v5 =	vadd.f32 v8, v5  }
.Ltmp33:
0x195: {  	v4 =	vld [tilespmem:s3+$0x7D20];
	v7 =	vadd.f32 v9, v7;
	(pc) =	sbr.rel @p0 .LBB2_43-.Ltmp33, $4  }
0x196: {  	v3 =	vld [tilespmem:s3+$0x7D30];
	[tilespmem:s0+$0x1BD00] =	vst v5;
	v6 =	vadd.f32 v11, v6  }
0x197: {  	v5 =	vld [tilespmem:s3+$0x1BD00];
	[tilespmem:s0+$0x1BD10] =	vst v7;
	v10 =	vadd.f32 v13, v10  }
0x198: {  	v7 =	vld [tilespmem:s3+$0x1BD10];
	[tilespmem:s0+$0x1BD20] =	vst v6;
	v8 =	vmov v12  }
0x199: {  	s1 =	sadd.s32 $0x100, s1;
	v6 =	vld [tilespmem:s3+$0x1BD20];
	[tilespmem:s0+$0x1BD30] =	vst v10;
	v9 =	vmov v14;
	s0 =	smov.u32 s3  }
0x19a: {  	v10 =	vld [tilespmem:s0+$0x1BD30];
	_ =	sdelay $0x1  }
0x19b: {  	v5 =	vadd.f32 v8, v5  }
0x19c: {  	v7 =	vadd.f32 v9, v7  }
0x19d: {  	[tilespmem:s0+$0x1BD00] =	vst v5;
	v4 =	vadd.f32 v4, v6  }
0x19e: {  	s24 =	sadd.s32 $0x1, s24;
	[tilespmem:s0+$0x1BD10] =	vst v7;
	v3 =	vadd.f32 v3, v10  }
0x19f: {  	p0 =	sne.s32 s24, s8;
	[tilespmem:s0+$0x1BD20] =	vst v4  }
.Ltmp34:
0x1a0: {  	s10 =	simm.s32 $0x0;
	s31 =	simm.s32 $0x1BD00;
	[tilespmem:s0+$0x1BD30] =	vst v3;
	(pc) =	sbr.rel @p0 .LBB2_1-.Ltmp34, $4  }
0x1a1: {  	[hbm4b:s7+s10] =	stream.linear.scatter [tilespmem:s31], [sflag:$0x3], $0x2000, $0x38;
	[tilespmem:$0x1FD00] =	vst v63  }
0x1a2: {  	_ =	swait.ge [sflag:s9], $0x2000  }
0x1a3: {  	[sflag:s9] =	ssyncset.done $0x0  }
0x1a4: {  	[sflag:s9] =	ssyncadd.s32 $0xFFFFE000  }
0x1a5: {  	_ =	sfence.sel $0x180000  }
0x1a6: {  	[bflag:$0x0] =	sbarrier.arrive $0xFFFF  }
0x1a7: {  	_ =	strace $0x90000047  }
0x1a8: {  	s0 =	stileid.u32;
	[bflag:$0x2] =	sbarrier.arrive $0xFFFF  }
0x1a9: {  	p0 =	sne.s32 s0, $0x0;
	s0 =	rddreg [dreg:$0x4]  }
0x1aa: {  	s0 =	sadd.s32 @!p0 $0x100000, s0  }
0x1ab: {  	[sflag:s0] =	ssyncadd.tile.s32 @!p0 $0x1;
	_ =	shalt  }
.Lfunc_end2:
_tile_overlayer_lowered:
.L_overlay_start_2:
0x1ac: {  	(tag) =	ssettag $0x2  }
0x1ad: {  	s0 =	rddreg [dreg:$0x0];
	s2 =	stileid.u32  }
0x1ae: {  	s1 =	rddreg [dreg:$0x1];
	p0 =	sne.s32 s2, $0x0  }
0x1af: {  	s3 =	rddreg [dreg:$0x2];
	[bflag:$0x3] =	sbarrier.arrive $0xFFFF;
	s2 =	simm.s32 @!p0 $0x1C03  }
0x1b0: {  	[timem:s3], [sflag:s2] =	dma.local @!p0 [hbm:s0], s1  }
0x1b1: {  	s0 =	simm.s32 @!p0 $0x3  }
0x1b2: {  	_ =	swait.ge @!p0 [sflag:s0], s1  }
0x1b3: {  	s1 =	ssub.s32 @!p0 $0x0, s1;
	[sflag:s0] =	ssyncset.done @!p0 $0x0  }
0x1b4: {  	[sflag:s0] =	ssyncadd.s32 @!p0 s1  }
0x1b5: {  	[bflag:$0x3] =	sbarrier.arrive $0xFFFF  }
0x1b6: {  	_ =	shalt  }

</sc_bundles>
